<compile_context>
chip_gen: v7x
topology: tpu7x:2x2x1
jax: 0.10.2.dev20260603
libtpu: 0.0.44.dev20260713+nightly
codegen_flags: <defaults>
</compile_context>

<pallas_src>
import math

import numpy as np
import jax
import jax.numpy as jnp
from jax import lax
from jax.experimental import pallas as pl
from jax.experimental.pallas import tpu as pltpu
from jax.experimental.pallas import tpu_sc as plsc

_T = 2048
_D = 1024
_H = 16
_HD = _D // _H
_WIN = 32
_DEPTH = 8
_QB = 128
_KW = 256
_NQB = _T // _QB


def _static_routing():
    pos = np.arange(_T, dtype=np.float64)
    x = pos / max(1, _T - 1)
    x = np.clip(x, 1e-06, 1.0 - 1e-06)
    val = np.zeros(_T, dtype=np.float64)
    factor = 0.5
    for _ in range(_DEPTH):
        x = x * 3.0
        digit = np.floor(x).astype(np.int64)
        x = x - digit
        val = val + (digit == 2).astype(np.float64) * factor
        factor *= 0.5
    coords = val
    dist = np.abs(coords[:, None] - coords[None, :])
    routes = np.argsort(dist, axis=1, kind='stable')[:, :_WIN]

    perm = np.argsort(coords, kind='stable')
    inv = np.empty(_T, dtype=np.int64)
    inv[perm] = np.arange(_T)

    sroutes = inv[routes]
    mask = np.full((_T, _KW), -1e30, dtype=np.float32)
    for p in range(_T):
        t = perm[p]
        qb = p // _QB
        kws = min(max(qb * _QB - 80, 0), _T - _KW)
        rel = sroutes[t] - kws
        assert rel.min() >= 0 and rel.max() < _KW, (p, rel.min(), rel.max())
        mask[p, rel] = 0.0
    return perm.astype(np.int32), inv.astype(np.int32), mask


_PERM_NP, _INV_NP, _MASK_NP = _static_routing()

_NC = 2
_NS = 16
_NW = _NC * _NS
_BPW = _T // _NW


def _sc_gather_body(table_hbm, idx_hbm, out_hbm, idx_v, rows_v, sem):
    wid = lax.axis_index("s") * _NC + lax.axis_index("c")
    base = wid * _BPW
    pltpu.sync_copy(idx_hbm.at[pl.ds(base, _BPW)], idx_v)
    pltpu.async_copy(table_hbm.at[idx_v], rows_v, sem).wait()
    pltpu.sync_copy(rows_v, out_hbm.at[pl.ds(base, _BPW)])


def _row_gather(table, idx):
    mesh = plsc.VectorSubcoreMesh(core_axis_name="c", subcore_axis_name="s")
    return pl.kernel(
        _sc_gather_body,
        mesh=mesh,
        out_type=jax.ShapeDtypeStruct((_T, _D), jnp.float32),
        scratch_types=[
            pltpu.VMEM((_BPW,), jnp.int32),
            pltpu.VMEM((_BPW, _D), jnp.float32),
            pltpu.SemaphoreType.DMA,
        ],
    )(table, idx)


def _proj_body(x_ref, w_ref, b_ref, o_ref):
    o_ref[...] = lax.dot_general(
        x_ref[...], w_ref[...], (((1,), (1,)), ((), ())),
        preferred_element_type=jnp.float32) + b_ref[...]


def _proj_body_bf16(x_ref, w_ref, b_ref, o_ref):
    o_ref[...] = lax.dot_general(
        x_ref[...], w_ref[...].astype(jnp.bfloat16), (((1,), (1,)), ((), ())),
        preferred_element_type=jnp.float32) + b_ref[...]


_HPP = 16


def _dot_t(a, b):
    return lax.dot_general(a, b, (((1,), (1,)), ((), ())),
                           preferred_element_type=jnp.float32)


def _attn_body(t_ref, x_ref, wq_ref, wk_ref, wv_ref, bq_ref, bk_ref, bv_ref,
               m_ref, wo_ref, bo_ref, o_ref, k_s, v_s):
    qb = pl.program_id(0)

    @pl.when(qb == 0)
    def _():
        k_s[...] = _dot_t(x_ref[...], wk_ref[...]) + bk_ref[...]
        v_s[...] = _dot_t(x_ref[...], wv_ref[...]) + bv_ref[...]

    kws = pl.multiple_of(jnp.clip(qb * _QB - 80, 0, _T - _KW), 16)
    q = _dot_t(x_ref[pl.ds(qb * _QB, _QB), :], wq_ref[...]) + bq_ref[...]
    k = k_s[pl.ds(kws, _KW), :]
    v = v_s[pl.ds(kws, _KW), :]
    scale = (1.0 / math.sqrt(_HD)) / jnp.abs(t_ref[0, 0])
    mask = m_ref[...]
    outs = []
    for i in range(_H):
        sl = slice(i * _HD, (i + 1) * _HD)
        s = lax.dot_general(q[:, sl], k[:, sl], (((1,), (1,)), ((), ())),
                            preferred_element_type=jnp.float32)
        e = jnp.exp(s * scale + mask)
        recip = 1.0 / jnp.sum(e, axis=1, keepdims=True)
        o = lax.dot_general(e.astype(jnp.bfloat16), v[:, sl].astype(jnp.bfloat16),
                            (((1,), (0,)), ((), ())),
                            preferred_element_type=jnp.float32)
        outs.append((o * recip).astype(jnp.bfloat16))
    ao = jnp.concatenate(outs, axis=1)
    o_ref[...] = lax.dot_general(
        ao, wo_ref[...].astype(jnp.bfloat16), (((1,), (1,)), ((), ())),
        preferred_element_type=jnp.float32) + bo_ref[...]


def _qkv_proj(xp, w3, b3):
    return pl.pallas_call(
        _proj_body,
        grid=(6,),
        in_specs=[
            pl.BlockSpec((_T, _D), lambda j: (0, 0)),
            pl.BlockSpec((512, _D), lambda j: (j, 0)),
            pl.BlockSpec((1, 512), lambda j: (0, j)),
        ],
        out_specs=pl.BlockSpec((_T, 512), lambda j: (0, j)),
        out_shape=jax.ShapeDtypeStruct((_T, 3 * _D), jnp.float32),
    )(xp, w3, b3)


def _attention(xp, temp2, Wq, bq2, Wk, bk2, Wv, bv2, Wo, bo2):
    return pl.pallas_call(
        _attn_body,
        grid=(_NQB,),
        in_specs=[
            pl.BlockSpec((1, 1), lambda qb: (0, 0)),
            pl.BlockSpec((_T, _D), lambda qb: (0, 0)),
            pl.BlockSpec((_D, _D), lambda qb: (0, 0)),
            pl.BlockSpec((_D, _D), lambda qb: (0, 0)),
            pl.BlockSpec((_D, _D), lambda qb: (0, 0)),
            pl.BlockSpec((1, _D), lambda qb: (0, 0)),
            pl.BlockSpec((1, _D), lambda qb: (0, 0)),
            pl.BlockSpec((1, _D), lambda qb: (0, 0)),
            pl.BlockSpec((_QB, _KW), lambda qb: (qb, 0)),
            pl.BlockSpec((_D, _D), lambda qb: (0, 0)),
            pl.BlockSpec((1, _D), lambda qb: (0, 0)),
        ],
        out_specs=pl.BlockSpec((_QB, _D), lambda qb: (qb, 0)),
        out_shape=jax.ShapeDtypeStruct((_T, _D), jnp.float32),
        scratch_shapes=[
            pltpu.VMEM((_T, _D), jnp.float32),
            pltpu.VMEM((_T, _D), jnp.float32),
        ],
    )(temp2, xp, Wq, Wk, Wv, bq2, bk2, bv2, jnp.asarray(_MASK_NP), Wo, bo2)


def _out_proj(a, Wo, bo2):
    return pl.pallas_call(
        _proj_body_bf16,
        grid=(4,),
        in_specs=[
            pl.BlockSpec((_T, _D), lambda j: (0, 0)),
            pl.BlockSpec((256, _D), lambda j: (j, 0)),
            pl.BlockSpec((1, 256), lambda j: (0, j)),
        ],
        out_specs=pl.BlockSpec((_T, 256), lambda j: (0, j)),
        out_shape=jax.ShapeDtypeStruct((_T, _D), jnp.float32),
    )(a, Wo, bo2)


def kernel(x, Wq, bq, Wk, bk, Wv, bv, Wo, bo, temperature):
    B, T, D = x.shape
    xp = _row_gather(x[0], jnp.asarray(_PERM_NP))
    outp = _attention(xp, temperature.reshape(1, 1),
                      Wq, bq.reshape(1, D), Wk, bk.reshape(1, D),
                      Wv, bv.reshape(1, D), Wo, bo.reshape(1, D))
    out = _row_gather(outp, jnp.asarray(_INV_NP))
    return out[None]

# --- scband reference (transcript-rebuilt; emitter-appended) ---
"""Pipeline reference for scband-cantor-chroma-attention-53566832116023 (READ-ONLY COPY).

The authoritative reference and input builder live on the scoring server;
editing this copy changes nothing except your own understanding.
"""

import jax, jax.numpy as jnp
import numpy as np

EMBED_DIM = 1024
NUM_HEADS = 16
CANTOR_DEPTH = 8
LOCAL_WINDOW = 32
BATCH = 1
SEQ = 2048


def _cantor_coords(T, depth):
    pos = np.arange(T, dtype=np.float64)
    x = pos / max(1, T - 1)
    x = np.clip(x, 1e-06, 1.0 - 1e-06)
    val = np.zeros(T, dtype=np.float64)
    factor = 0.5
    for _ in range(depth):
        x = x * 3.0
        digit = np.floor(x).astype(np.int64)
        x = x - digit
        val = val + (digit == 2).astype(np.float64) * factor
        factor *= 0.5
    return val


def _build_routes(T, depth, window):
    coords = _cantor_coords(T, depth)
    dist = np.abs(coords[:, None] - coords[None, :])
    w = min(window, T)
    routes = np.argsort(dist, axis=1, kind='stable')[:, :w]
    return routes.astype(np.int32)


def setup_inputs(seed: int = 0):
    key = jax.random.key(seed)
    ks = jax.random.split(key, 10)
    D = EMBED_DIM
    s = 1.0 / float(np.sqrt(D))
    inp = {
        'x': jax.random.normal(ks[0], (BATCH, SEQ, D), dtype=jnp.float32),
        'Wq': jax.random.uniform(ks[1], (D, D), minval=-s, maxval=s, dtype=jnp.float32),
        'bq': jax.random.uniform(ks[2], (D,), minval=-s, maxval=s, dtype=jnp.float32),
        'Wk': jax.random.uniform(ks[3], (D, D), minval=-s, maxval=s, dtype=jnp.float32),
        'bk': jax.random.uniform(ks[4], (D,), minval=-s, maxval=s, dtype=jnp.float32),
        'Wv': jax.random.uniform(ks[5], (D, D), minval=-s, maxval=s, dtype=jnp.float32),
        'bv': jax.random.uniform(ks[6], (D,), minval=-s, maxval=s, dtype=jnp.float32),
        'Wo': jax.random.uniform(ks[7], (D, D), minval=-s, maxval=s, dtype=jnp.float32),
        'bo': jax.random.uniform(ks[8], (D,), minval=-s, maxval=s, dtype=jnp.float32),
        'temperature': jnp.asarray(0.07, dtype=jnp.float32),
    }
    return inp


def reference(x, Wq, bq, Wk, bk, Wv, bv, Wo, bo, temperature):
    B, T, D = x.shape
    H = NUM_HEADS
    hd = D // H
    routes = jnp.asarray(_build_routes(T, CANTOR_DEPTH, LOCAL_WINDOW))  # [T, W] int32
    Q = (x @ Wq.T + bq).reshape(B, T, H, hd).transpose(0, 2, 1, 3)  # [B,H,T,hd]
    K = (x @ Wk.T + bk).reshape(B, T, H, hd).transpose(0, 2, 1, 3)
    V = (x @ Wv.T + bv).reshape(B, T, H, hd).transpose(0, 2, 1, 3)
    # gather route neighbors: [B,H,T,W,hd]
    Kn = jnp.take(K, routes, axis=2)
    Vn = jnp.take(V, routes, axis=2)
    scores = jnp.einsum('bhtd,bhtwd->bhtw', Q, Kn) / jnp.sqrt(jnp.asarray(hd, x.dtype))
    scores = scores / jnp.abs(temperature)
    attn = jax.nn.softmax(scores, axis=-1)
    out = jnp.einsum('bhtw,bhtwd->bhtd', attn, Vn)  # [B,H,T,hd]
    out = out.transpose(0, 2, 1, 3).reshape(B, T, D)
    out = out @ Wo.T + bo
    return out

if __name__ == "__main__":
    import jax
    _d = setup_inputs()
    print(jax.jit(kernel)(*tuple(_d.values())))

</pallas_src>

<mosaic_0001>
#map = affine_map<(d0, d1) -> (0, 0)>
#map1 = affine_map<(d0, d1) -> (0)>
module attributes {stable_mosaic.version = 14 : i64} {
  func.func @_sc_gather_body(%arg0: i32, %arg1: i32, %arg2: memref<2048x1024xf32, #tpu.memory_space<hbm>>, %arg3: memref<2048xi32, #tpu.memory_space<hbm>>, %arg4: memref<2048x1024xf32, #tpu.memory_space<hbm>>, %arg5: memref<64xi32, #tpu.memory_space<vmem>>, %arg6: memref<64x1024xf32, #tpu.memory_space<vmem>>, %arg7: memref<!tpu.dma_semaphore, #tpu.memory_space<semaphore_mem>>) attributes {dimension_semantics = [#tpu.dimension_semantics<core_parallel>, #tpu.dimension_semantics<subcore_parallel>], iteration_bounds = array<i64: 2, 16>, scalar_prefetch = 0 : i64, scratch_operands = 3 : i64, tpu.core_type = #tpu.core_type<sc_vector_subcore>, window_params = [{transform_indices = #map}, {transform_indices = #map1}, {transform_indices = #map}]} {
    %mul3A = arith.constant 2 : i32
    %mul3A_0 = arith.muli %arg1, %mul3A : i32
    %add3A = arith.addi %mul3A_0, %arg0 : i32
    %mul3A_1 = arith.constant 64 : i32
    %mul3A_2 = arith.muli %add3A, %mul3A_1 : i32
    "tpu.region"() ({
      %run_scoped3A = tpu.sem_alloc : memref<!tpu.dma_semaphore, #tpu.memory_space<semaphore_mem>>
      %dma_start3A_7 = tpu.memref_slice %arg3[%mul3A_2] : memref<2048xi32, #tpu.memory_space<hbm>> -> memref<64xi32, #tpu.memory_space<hbm>>
      %dma_start3A_8 = tpu.memref_slice %arg3[%mul3A_2] : memref<2048xi32, #tpu.memory_space<hbm>> -> memref<64xi32, #tpu.memory_space<hbm>>
      tpu.enqueue_dma source(%dma_start3A_8 : memref<64xi32, #tpu.memory_space<hbm>>) target(%arg5 : memref<64xi32, #tpu.memory_space<vmem>>) target_semaphore(%run_scoped3A : memref<!tpu.dma_semaphore, #tpu.memory_space<semaphore_mem>>)
      %dma_wait3A_9 = tpu.memref_slice %arg3[%mul3A_2] : memref<2048xi32, #tpu.memory_space<hbm>> -> memref<64xi32, #tpu.memory_space<hbm>>
      %dma_wait3A_10 = tpu.memref_slice %arg3[%mul3A_2] : memref<2048xi32, #tpu.memory_space<hbm>> -> memref<64xi32, #tpu.memory_space<hbm>>
      tpu.wait_dma2 semaphore(%run_scoped3A : memref<!tpu.dma_semaphore, #tpu.memory_space<semaphore_mem>>) src(%dma_wait3A_10 : memref<64xi32, #tpu.memory_space<hbm>>) dst(%arg5 : memref<64xi32, #tpu.memory_space<vmem>>)
      tpu.yield
    }) : () -> ()
    %dma_start3A = arith.constant 0 : i32
    %dma_start3A_3 = arith.constant 0 : i32
    %dma_start3A_4 = tpu.memref_slice %arg2[%dma_start3A, %dma_start3A_3] : memref<2048x1024xf32, #tpu.memory_space<hbm>> -> memref<2048x1024xf32, #tpu.memory_space<hbm>>
    tpu.enqueue_indirect_dma source(%dma_start3A_4 : memref<2048x1024xf32, #tpu.memory_space<hbm>>) target(%arg6 : memref<64x1024xf32, #tpu.memory_space<vmem>>) offsets(%arg5 : memref<64xi32, #tpu.memory_space<vmem>>) semaphore(%arg7 : memref<!tpu.dma_semaphore, #tpu.memory_space<semaphore_mem>>)
    %dma_wait3A = arith.constant 0 : i32
    %dma_wait3A_5 = arith.constant 0 : i32
    %dma_wait3A_6 = tpu.memref_slice %arg2[%dma_wait3A, %dma_wait3A_5] : memref<2048x1024xf32, #tpu.memory_space<hbm>> -> memref<2048x1024xf32, #tpu.memory_space<hbm>>
    tpu.wait_indirect_dma semaphore(%arg7 : memref<!tpu.dma_semaphore, #tpu.memory_space<semaphore_mem>>) src(%dma_wait3A_6 : memref<2048x1024xf32, #tpu.memory_space<hbm>>) dst(%arg6 : memref<64x1024xf32, #tpu.memory_space<vmem>>)
    "tpu.region"() ({
      %run_scoped3A = tpu.sem_alloc : memref<!tpu.dma_semaphore, #tpu.memory_space<semaphore_mem>>
      %dma_start3A_7 = arith.constant 0 : i32
      %dma_start3A_8 = tpu.memref_slice %arg4[%mul3A_2, %dma_start3A_7] : memref<2048x1024xf32, #tpu.memory_space<hbm>> -> memref<64x1024xf32, #tpu.memory_space<hbm>>
      %dma_start3A_9 = arith.constant 0 : i32
      %dma_start3A_10 = tpu.memref_slice %arg4[%mul3A_2, %dma_start3A_9] : memref<2048x1024xf32, #tpu.memory_space<hbm>> -> memref<64x1024xf32, #tpu.memory_space<hbm>>
      tpu.enqueue_dma source(%arg6 : memref<64x1024xf32, #tpu.memory_space<vmem>>) target(%dma_start3A_10 : memref<64x1024xf32, #tpu.memory_space<hbm>>) target_semaphore(%run_scoped3A : memref<!tpu.dma_semaphore, #tpu.memory_space<semaphore_mem>>)
      %dma_wait3A_11 = arith.constant 0 : i32
      %dma_wait3A_12 = tpu.memref_slice %arg4[%mul3A_2, %dma_wait3A_11] : memref<2048x1024xf32, #tpu.memory_space<hbm>> -> memref<64x1024xf32, #tpu.memory_space<hbm>>
      %dma_wait3A_13 = arith.constant 0 : i32
      %dma_wait3A_14 = tpu.memref_slice %arg4[%mul3A_2, %dma_wait3A_13] : memref<2048x1024xf32, #tpu.memory_space<hbm>> -> memref<64x1024xf32, #tpu.memory_space<hbm>>
      tpu.wait_dma2 semaphore(%run_scoped3A : memref<!tpu.dma_semaphore, #tpu.memory_space<semaphore_mem>>) src(%arg6 : memref<64x1024xf32, #tpu.memory_space<vmem>>) dst(%dma_wait3A_14 : memref<64x1024xf32, #tpu.memory_space<hbm>>)
      tpu.yield
    }) : () -> ()
    return
  }
}

#map = affine_map<(d0, d1) -> (0, 0)>
#map1 = affine_map<(d0, d1) -> (0)>
module attributes {stable_mosaic.version = 14 : i64} {
  func.func @_sc_gather_body(%arg0: i32, %arg1: i32, %arg2: memref<2048x1024xf32, #tpu.memory_space<hbm>>, %arg3: memref<2048xi32, #tpu.memory_space<hbm>>, %arg4: memref<2048x1024xf32, #tpu.memory_space<hbm>>, %arg5: memref<64xi32, #tpu.memory_space<vmem>>, %arg6: memref<64x1024xf32, #tpu.memory_space<vmem>>, %arg7: memref<!tpu.dma_semaphore, #tpu.memory_space<semaphore_mem>>) attributes {dimension_semantics = [#tpu.dimension_semantics<core_parallel>, #tpu.dimension_semantics<subcore_parallel>], iteration_bounds = array<i64: 2, 16>, scalar_prefetch = 0 : i64, scratch_operands = 3 : i64, tpu.core_type = #tpu.core_type<sc_vector_subcore>, window_params = [{transform_indices = #map}, {transform_indices = #map1}, {transform_indices = #map}]} {
    %mul3A = arith.constant 2 : i32
    %mul3A_0 = arith.muli %arg1, %mul3A : i32
    %add3A = arith.addi %mul3A_0, %arg0 : i32
    %mul3A_1 = arith.constant 64 : i32
    %mul3A_2 = arith.muli %add3A, %mul3A_1 : i32
    "tpu.region"() ({
      %run_scoped3A = tpu.sem_alloc : memref<!tpu.dma_semaphore, #tpu.memory_space<semaphore_mem>>
      %dma_start3A_7 = tpu.memref_slice %arg3[%mul3A_2] : memref<2048xi32, #tpu.memory_space<hbm>> -> memref<64xi32, #tpu.memory_space<hbm>>
      %dma_start3A_8 = tpu.memref_slice %arg3[%mul3A_2] : memref<2048xi32, #tpu.memory_space<hbm>> -> memref<64xi32, #tpu.memory_space<hbm>>
      tpu.enqueue_dma source(%dma_start3A_8 : memref<64xi32, #tpu.memory_space<hbm>>) target(%arg5 : memref<64xi32, #tpu.memory_space<vmem>>) target_semaphore(%run_scoped3A : memref<!tpu.dma_semaphore, #tpu.memory_space<semaphore_mem>>)
      %dma_wait3A_9 = tpu.memref_slice %arg3[%mul3A_2] : memref<2048xi32, #tpu.memory_space<hbm>> -> memref<64xi32, #tpu.memory_space<hbm>>
      %dma_wait3A_10 = tpu.memref_slice %arg3[%mul3A_2] : memref<2048xi32, #tpu.memory_space<hbm>> -> memref<64xi32, #tpu.memory_space<hbm>>
      tpu.wait_dma2 semaphore(%run_scoped3A : memref<!tpu.dma_semaphore, #tpu.memory_space<semaphore_mem>>) src(%dma_wait3A_10 : memref<64xi32, #tpu.memory_space<hbm>>) dst(%arg5 : memref<64xi32, #tpu.memory_space<vmem>>)
      tpu.yield
    }) : () -> ()
    %dma_start3A = arith.constant 0 : i32
    %dma_start3A_3 = arith.constant 0 : i32
    %dma_start3A_4 = tpu.memref_slice %arg2[%dma_start3A, %dma_start3A_3] : memref<2048x1024xf32, #tpu.memory_space<hbm>> -> memref<2048x1024xf32, #tpu.memory_space<hbm>>
    tpu.enqueue_indirect_dma source(%dma_start3A_4 : memref<2048x1024xf32, #tpu.memory_space<hbm>>) target(%arg6 : memref<64x1024xf32, #tpu.memory_space<vmem>>) offsets(%arg5 : memref<64xi32, #tpu.memory_space<vmem>>) semaphore(%arg7 : memref<!tpu.dma_semaphore, #tpu.memory_space<semaphore_mem>>)
    %dma_wait3A = arith.constant 0 : i32
    %dma_wait3A_5 = arith.constant 0 : i32
    %dma_wait3A_6 = tpu.memref_slice %arg2[%dma_wait3A, %dma_wait3A_5] : memref<2048x1024xf32, #tpu.memory_space<hbm>> -> memref<2048x1024xf32, #tpu.memory_space<hbm>>
    tpu.wait_indirect_dma semaphore(%arg7 : memref<!tpu.dma_semaphore, #tpu.memory_space<semaphore_mem>>) src(%dma_wait3A_6 : memref<2048x1024xf32, #tpu.memory_space<hbm>>) dst(%arg6 : memref<64x1024xf32, #tpu.memory_space<vmem>>)
    "tpu.region"() ({
      %run_scoped3A = tpu.sem_alloc : memref<!tpu.dma_semaphore, #tpu.memory_space<semaphore_mem>>
      %dma_start3A_7 = arith.constant 0 : i32
      %dma_start3A_8 = tpu.memref_slice %arg4[%mul3A_2, %dma_start3A_7] : memref<2048x1024xf32, #tpu.memory_space<hbm>> -> memref<64x1024xf32, #tpu.memory_space<hbm>>
      %dma_start3A_9 = arith.constant 0 : i32
      %dma_start3A_10 = tpu.memref_slice %arg4[%mul3A_2, %dma_start3A_9] : memref<2048x1024xf32, #tpu.memory_space<hbm>> -> memref<64x1024xf32, #tpu.memory_space<hbm>>
      tpu.enqueue_dma source(%arg6 : memref<64x1024xf32, #tpu.memory_space<vmem>>) target(%dma_start3A_10 : memref<64x1024xf32, #tpu.memory_space<hbm>>) target_semaphore(%run_scoped3A : memref<!tpu.dma_semaphore, #tpu.memory_space<semaphore_mem>>)
      %dma_wait3A_11 = arith.constant 0 : i32
      %dma_wait3A_12 = tpu.memref_slice %arg4[%mul3A_2, %dma_wait3A_11] : memref<2048x1024xf32, #tpu.memory_space<hbm>> -> memref<64x1024xf32, #tpu.memory_space<hbm>>
      %dma_wait3A_13 = arith.constant 0 : i32
      %dma_wait3A_14 = tpu.memref_slice %arg4[%mul3A_2, %dma_wait3A_13] : memref<2048x1024xf32, #tpu.memory_space<hbm>> -> memref<64x1024xf32, #tpu.memory_space<hbm>>
      tpu.wait_dma2 semaphore(%run_scoped3A : memref<!tpu.dma_semaphore, #tpu.memory_space<semaphore_mem>>) src(%arg6 : memref<64x1024xf32, #tpu.memory_space<vmem>>) dst(%dma_wait3A_14 : memref<64x1024xf32, #tpu.memory_space<hbm>>)
      tpu.yield
    }) : () -> ()
    return
  }
}

module attributes {stable_mosaic.version = 14 : i64} {
  func.func @_attn_body(%arg0: i32, %arg1: memref<1x1xf32, #tpu.memory_space<vmem>>, %arg2: memref<2048x1024xf32, #tpu.memory_space<vmem>>, %arg3: memref<1024x1024xf32, #tpu.memory_space<vmem>>, %arg4: memref<1024x1024xf32, #tpu.memory_space<vmem>>, %arg5: memref<1024x1024xf32, #tpu.memory_space<vmem>>, %arg6: memref<1x1024xf32, #tpu.memory_space<vmem>>, %arg7: memref<1x1024xf32, #tpu.memory_space<vmem>>, %arg8: memref<1x1024xf32, #tpu.memory_space<vmem>>, %arg9: memref<128x256xf32, #tpu.memory_space<vmem>>, %arg10: memref<1024x1024xf32, #tpu.memory_space<vmem>>, %arg11: memref<1x1024xf32, #tpu.memory_space<vmem>>, %arg12: memref<128x1024xf32, #tpu.memory_space<vmem>>, %arg13: memref<2048x1024xf32, #tpu.memory_space<vmem>>, %arg14: memref<2048x1024xf32, #tpu.memory_space<vmem>>) attributes {dimension_semantics = [#tpu.dimension_semantics<arbitrary>], iteration_bounds = array<i64: 16>, scalar_prefetch = 0 : i64, scratch_operands = 2 : i64, tpu.core_type = #tpu.core_type<tc>, window_params = [{pipeline_mode = #tpu.pipeline_mode<synchronous>, transform_indices = @transform_0, window_bounds = array<i64: 1, 1>}, {pipeline_mode = #tpu.pipeline_mode<synchronous>, transform_indices = @transform_1, window_bounds = array<i64: 2048, 1024>}, {pipeline_mode = #tpu.pipeline_mode<synchronous>, transform_indices = @transform_2, window_bounds = array<i64: 1024, 1024>}, {pipeline_mode = #tpu.pipeline_mode<synchronous>, transform_indices = @transform_3, window_bounds = array<i64: 1024, 1024>}, {pipeline_mode = #tpu.pipeline_mode<synchronous>, transform_indices = @transform_4, window_bounds = array<i64: 1024, 1024>}, {pipeline_mode = #tpu.pipeline_mode<synchronous>, transform_indices = @transform_5, window_bounds = array<i64: 1, 1024>}, {pipeline_mode = #tpu.pipeline_mode<synchronous>, transform_indices = @transform_6, window_bounds = array<i64: 1, 1024>}, {pipeline_mode = #tpu.pipeline_mode<synchronous>, transform_indices = @transform_7, window_bounds = array<i64: 1, 1024>}, {transform_indices = @transform_8, window_bounds = array<i64: 128, 256>}, {pipeline_mode = #tpu.pipeline_mode<synchronous>, transform_indices = @transform_9, window_bounds = array<i64: 1024, 1024>}, {pipeline_mode = #tpu.pipeline_mode<synchronous>, transform_indices = @transform_10, window_bounds = array<i64: 1, 1024>}, {transform_indices = @transform_11, window_bounds = array<i64: 128, 1024>}]} {
    %eq3A = arith.constant 0 : i32
    %eq3A_0 = arith.cmpi eq, %arg0, %eq3A : i32
    %convert_element_type3A = arith.extui %eq3A_0 : i1 to i32
    %cond3A = arith.constant 0 : i32
    %cond3A_1 = arith.cmpi ne, %convert_element_type3A, %cond3A : i32
    scf.if %cond3A_1 {
      %get3A_392 = arith.constant 0 : index
      %get3A_393 = arith.constant 0 : index
      %get3A_394 = vector.load %arg2[%get3A_392, %get3A_393] : memref<2048x1024xf32, #tpu.memory_space<vmem>>, vector<2048x1024xf32>
      %get3A_395 = arith.constant 0 : index
      %get3A_396 = arith.constant 0 : index
      %get3A_397 = vector.load %arg4[%get3A_395, %get3A_396] : memref<1024x1024xf32, #tpu.memory_space<vmem>>, vector<1024x1024xf32>
      %dot_general3A_398 = arith.constant dense<0.000000e+00> : vector<2048x1024xf32>
      %dot_general3A_399 = tpu.matmul %get3A_394, %get3A_397, %dot_general3A_398 {dimension_numbers = #tpu.dot_dimension_numbers<[1], [1], [0], [0], [0, 0, 1, 0], [], []>, transpose_lhs_hint = false} : vector<2048x1024xf32>, vector<1024x1024xf32>, vector<2048x1024xf32> -> vector<2048x1024xf32>
      %get3A_400 = arith.constant 0 : index
      %get3A_401 = arith.constant 0 : index
      %get3A_402 = vector.load %arg7[%get3A_400, %get3A_401] : memref<1x1024xf32, #tpu.memory_space<vmem>>, vector<1x1024xf32>
      %add3A_403 = vector.broadcast %get3A_402 : vector<1x1024xf32> to vector<2048x1024xf32>
      %add3A_404 = arith.addf %dot_general3A_399, %add3A_403 : vector<2048x1024xf32>
      %swap3A_405 = arith.constant 0 : index
      %swap3A_406 = arith.constant 0 : index
      %swap3A_407 = vector.load %arg13[%swap3A_405, %swap3A_406] : memref<2048x1024xf32, #tpu.memory_space<vmem>>, vector<2048x1024xf32>
      tpu.vector_store %arg13[%swap3A_405, %swap3A_406], %add3A_404 {strides = array<i32>} : memref<2048x1024xf32, #tpu.memory_space<vmem>>, vector<2048x1024xf32>,
      %get3A_408 = arith.constant 0 : index
      %get3A_409 = arith.constant 0 : index
      %get3A_410 = vector.load %arg2[%get3A_408, %get3A_409] : memref<2048x1024xf32, #tpu.memory_space<vmem>>, vector<2048x1024xf32>
      %get3A_411 = arith.constant 0 : index
      %get3A_412 = arith.constant 0 : index
      %get3A_413 = vector.load %arg5[%get3A_411, %get3A_412] : memref<1024x1024xf32, #tpu.memory_space<vmem>>, vector<1024x1024xf32>
      %dot_general3A_414 = arith.constant dense<0.000000e+00> : vector<2048x1024xf32>
      %dot_general3A_415 = tpu.matmul %get3A_410, %get3A_413, %dot_general3A_414 {dimension_numbers = #tpu.dot_dimension_numbers<[1], [1], [0], [0], [0, 0, 1, 0], [], []>, transpose_lhs_hint = false} : vector<2048x1024xf32>, vector<1024x1024xf32>, vector<2048x1024xf32> -> vector<2048x1024xf32>
      %get3A_416 = arith.constant 0 : index
      %get3A_417 = arith.constant 0 : index
      %get3A_418 = vector.load %arg8[%get3A_416, %get3A_417] : memref<1x1024xf32, #tpu.memory_space<vmem>>, vector<1x1024xf32>
      %add3A_419 = vector.broadcast %get3A_418 : vector<1x1024xf32> to vector<2048x1024xf32>
      %add3A_420 = arith.addf %dot_general3A_415, %add3A_419 : vector<2048x1024xf32>
      %swap3A_421 = arith.constant 0 : index
      %swap3A_422 = arith.constant 0 : index
      %swap3A_423 = vector.load %arg14[%swap3A_421, %swap3A_422] : memref<2048x1024xf32, #tpu.memory_space<vmem>>, vector<2048x1024xf32>
      tpu.vector_store %arg14[%swap3A_421, %swap3A_422], %add3A_420 {strides = array<i32>} : memref<2048x1024xf32, #tpu.memory_space<vmem>>, vector<2048x1024xf32>,
    } else {
    }
    %mul3A = arith.constant 128 : i32
    %mul3A_2 = arith.muli %arg0, %mul3A : i32
    %sub3A = arith.constant 80 : i32
    %sub3A_3 = arith.subi %mul3A_2, %sub3A : i32
    %jit3A = arith.constant 0 : i32
    %jit3A_4 = arith.constant 1792 : i32
    %max3A = arith.maxsi %jit3A, %sub3A_3 : i32
    %min3A = arith.minsi %jit3A_4, %max3A : i32
    %multiple_of3A = tpu.assume_multiple %min3A, 16 : i32
    %mul3A_5 = arith.constant 128 : i32
    %mul3A_6 = arith.muli %arg0, %mul3A_5 : i32
    %get3A = arith.index_cast %mul3A_6 : i32 to index
    %get3A_7 = arith.constant 0 : index
    %get3A_8 = vector.load %arg2[%get3A, %get3A_7] : memref<2048x1024xf32, #tpu.memory_space<vmem>>, vector<128x1024xf32>
    %get3A_9 = arith.constant 0 : index
    %get3A_10 = arith.constant 0 : index
    %get3A_11 = vector.load %arg3[%get3A_9, %get3A_10] : memref<1024x1024xf32, #tpu.memory_space<vmem>>, vector<1024x1024xf32>
    %dot_general3A = arith.constant dense<0.000000e+00> : vector<128x1024xf32>
    %dot_general3A_12 = tpu.matmul %get3A_8, %get3A_11, %dot_general3A {dimension_numbers = #tpu.dot_dimension_numbers<[1], [1], [0], [0], [0, 0, 1, 0], [], []>, transpose_lhs_hint = false} : vector<128x1024xf32>, vector<1024x1024xf32>, vector<128x1024xf32> -> vector<128x1024xf32>
    %get3A_13 = arith.constant 0 : index
    %get3A_14 = arith.constant 0 : index
    %get3A_15 = vector.load %arg6[%get3A_13, %get3A_14] : memref<1x1024xf32, #tpu.memory_space<vmem>>, vector<1x1024xf32>
    %add3A = vector.broadcast %get3A_15 : vector<1x1024xf32> to vector<128x1024xf32>
    %add3A_16 = arith.addf %dot_general3A_12, %add3A : vector<128x1024xf32>
    %get3A_17 = arith.index_cast %multiple_of3A : i32 to index
    %get3A_18 = arith.constant 0 : index
    %get3A_19 = vector.load %arg13[%get3A_17, %get3A_18] : memref<2048x1024xf32, #tpu.memory_space<vmem>>, vector<256x1024xf32>
    %get3A_20 = arith.index_cast %multiple_of3A : i32 to index
    %get3A_21 = arith.constant 0 : index
    %get3A_22 = vector.load %arg14[%get3A_20, %get3A_21] : memref<2048x1024xf32, #tpu.memory_space<vmem>>, vector<256x1024xf32>
    %get3A_23 = arith.constant 0 : index
    %get3A_24 = arith.constant 0 : index
    %get3A_25 = vector.load %arg1[%get3A_23, %get3A_24] : memref<1x1xf32, #tpu.memory_space<vmem>>, vector<1x1xf32>
    %get3A_26 = vector.extract %get3A_25[0, 0] : f32 from vector<1x1xf32>
    %abs3A = math.absf %get3A_26 : f32
    %div3A = arith.constant 1.250000e-01 : f32
    %div3A_27 = arith.divf %div3A, %abs3A : f32
    %get3A_28 = arith.constant 0 : index
    %get3A_29 = arith.constant 0 : index
    %get3A_30 = vector.load %arg9[%get3A_28, %get3A_29] : memref<128x256xf32, #tpu.memory_space<vmem>>, vector<128x256xf32>
    %slice3A = vector.extract_strided_slice %add3A_16 {offsets = [0, 0], sizes = [128, 64], strides = [1, 1]} : vector<128x1024xf32> to vector<128x64xf32>
    %slice3A_31 = vector.extract_strided_slice %get3A_19 {offsets = [0, 0], sizes = [256, 64], strides = [1, 1]} : vector<256x1024xf32> to vector<256x64xf32>
    %dot_general3A_32 = arith.constant dense<0.000000e+00> : vector<128x256xf32>
    %dot_general3A_33 = tpu.matmul %slice3A, %slice3A_31, %dot_general3A_32 {dimension_numbers = #tpu.dot_dimension_numbers<[1], [1], [0], [0], [0, 0, 1, 0], [], []>, transpose_lhs_hint = false} : vector<128x64xf32>, vector<256x64xf32>, vector<128x256xf32> -> vector<128x256xf32>
    %mul3A_34 = vector.broadcast %div3A_27 : f32 to vector<128x256xf32>
    %mul3A_35 = arith.mulf %dot_general3A_33, %mul3A_34 : vector<128x256xf32>
    %add3A_36 = arith.addf %mul3A_35, %get3A_30 : vector<128x256xf32>
    %exp3A = math.exp %add3A_36 : vector<128x256xf32>
    %reduce_sum3A = arith.constant dense<0.000000e+00> : vector<128xf32>
    %reduce_sum3A_37 = vector.multi_reduction <add>, %exp3A, %reduce_sum3A [1] : vector<128x256xf32> to vector<128xf32>
    %broadcast_in_dim3A = vector.shape_cast %reduce_sum3A_37 : vector<128xf32> to vector<128x1xf32>
    %div3A_38 = arith.constant 1.000000e+00 : f32
    %div3A_39 = vector.broadcast %div3A_38 : f32 to vector<128x1xf32>
    %div3A_40 = arith.divf %div3A_39, %broadcast_in_dim3A : vector<128x1xf32>
    %convert_element_type3A_41 = arith.truncf %exp3A : vector<128x256xf32> to vector<128x256xbf16>
    %slice3A_42 = vector.extract_strided_slice %get3A_22 {offsets = [0, 0], sizes = [256, 64], strides = [1, 1]} : vector<256x1024xf32> to vector<256x64xf32>
    %convert_element_type3A_43 = arith.truncf %slice3A_42 : vector<256x64xf32> to vector<256x64xbf16>
    %dot_general3A_44 = arith.constant dense<0.000000e+00> : vector<128x64xf32>
    %dot_general3A_45 = tpu.matmul %convert_element_type3A_41, %convert_element_type3A_43, %dot_general3A_44 {dimension_numbers = #tpu.dot_dimension_numbers<[1], [0], [0], [1], [0, 0, 1, 1], [], []>, transpose_lhs_hint = false} : vector<128x256xbf16>, vector<256x64xbf16>, vector<128x64xf32> -> vector<128x64xf32>
    %mul3A_46 = vector.broadcast %div3A_40 : vector<128x1xf32> to vector<128x64xf32>
    %mul3A_47 = arith.mulf %dot_general3A_45, %mul3A_46 : vector<128x64xf32>
    %convert_element_type3A_48 = arith.truncf %mul3A_47 : vector<128x64xf32> to vector<128x64xbf16>
    %slice3A_49 = vector.extract_strided_slice %add3A_16 {offsets = [0, 64], sizes = [128, 64], strides = [1, 1]} : vector<128x1024xf32> to vector<128x64xf32>
    %slice3A_50 = vector.extract_strided_slice %get3A_19 {offsets = [0, 64], sizes = [256, 64], strides = [1, 1]} : vector<256x1024xf32> to vector<256x64xf32>
    %dot_general3A_51 = arith.constant dense<0.000000e+00> : vector<128x256xf32>
    %dot_general3A_52 = tpu.matmul %slice3A_49, %slice3A_50, %dot_general3A_51 {dimension_numbers = #tpu.dot_dimension_numbers<[1], [1], [0], [0], [0, 0, 1, 0], [], []>, transpose_lhs_hint = false} : vector<128x64xf32>, vector<256x64xf32>, vector<128x256xf32> -> vector<128x256xf32>
    %mul3A_53 = vector.broadcast %div3A_27 : f32 to vector<128x256xf32>
    %mul3A_54 = arith.mulf %dot_general3A_52, %mul3A_53 : vector<128x256xf32>
    %add3A_55 = arith.addf %mul3A_54, %get3A_30 : vector<128x256xf32>
    %exp3A_56 = math.exp %add3A_55 : vector<128x256xf32>
    %reduce_sum3A_57 = arith.constant dense<0.000000e+00> : vector<128xf32>
    %reduce_sum3A_58 = vector.multi_reduction <add>, %exp3A_56, %reduce_sum3A_57 [1] : vector<128x256xf32> to vector<128xf32>
    %broadcast_in_dim3A_59 = vector.shape_cast %reduce_sum3A_58 : vector<128xf32> to vector<128x1xf32>
    %div3A_60 = arith.constant 1.000000e+00 : f32
    %div3A_61 = vector.broadcast %div3A_60 : f32 to vector<128x1xf32>
    %div3A_62 = arith.divf %div3A_61, %broadcast_in_dim3A_59 : vector<128x1xf32>
    %convert_element_type3A_63 = arith.truncf %exp3A_56 : vector<128x256xf32> to vector<128x256xbf16>
    %slice3A_64 = vector.extract_strided_slice %get3A_22 {offsets = [0, 64], sizes = [256, 64], strides = [1, 1]} : vector<256x1024xf32> to vector<256x64xf32>
    %convert_element_type3A_65 = arith.truncf %slice3A_64 : vector<256x64xf32> to vector<256x64xbf16>
    %dot_general3A_66 = arith.constant dense<0.000000e+00> : vector<128x64xf32>
    %dot_general3A_67 = tpu.matmul %convert_element_type3A_63, %convert_element_type3A_65, %dot_general3A_66 {dimension_numbers = #tpu.dot_dimension_numbers<[1], [0], [0], [1], [0, 0, 1, 1], [], []>, transpose_lhs_hint = false} : vector<128x256xbf16>, vector<256x64xbf16>, vector<128x64xf32> -> vector<128x64xf32>
    %mul3A_68 = vector.broadcast %div3A_62 : vector<128x1xf32> to vector<128x64xf32>
    %mul3A_69 = arith.mulf %dot_general3A_67, %mul3A_68 : vector<128x64xf32>
    %convert_element_type3A_70 = arith.truncf %mul3A_69 : vector<128x64xf32> to vector<128x64xbf16>
    %slice3A_71 = vector.extract_strided_slice %add3A_16 {offsets = [0, 128], sizes = [128, 64], strides = [1, 1]} : vector<128x1024xf32> to vector<128x64xf32>
    %slice3A_72 = vector.extract_strided_slice %get3A_19 {offsets = [0, 128], sizes = [256, 64], strides = [1, 1]} : vector<256x1024xf32> to vector<256x64xf32>
    %dot_general3A_73 = arith.constant dense<0.000000e+00> : vector<128x256xf32>
    %dot_general3A_74 = tpu.matmul %slice3A_71, %slice3A_72, %dot_general3A_73 {dimension_numbers = #tpu.dot_dimension_numbers<[1], [1], [0], [0], [0, 0, 1, 0], [], []>, transpose_lhs_hint = false} : vector<128x64xf32>, vector<256x64xf32>, vector<128x256xf32> -> vector<128x256xf32>
    %mul3A_75 = vector.broadcast %div3A_27 : f32 to vector<128x256xf32>
    %mul3A_76 = arith.mulf %dot_general3A_74, %mul3A_75 : vector<128x256xf32>
    %add3A_77 = arith.addf %mul3A_76, %get3A_30 : vector<128x256xf32>
    %exp3A_78 = math.exp %add3A_77 : vector<128x256xf32>
    %reduce_sum3A_79 = arith.constant dense<0.000000e+00> : vector<128xf32>
    %reduce_sum3A_80 = vector.multi_reduction <add>, %exp3A_78, %reduce_sum3A_79 [1] : vector<128x256xf32> to vector<128xf32>
    %broadcast_in_dim3A_81 = vector.shape_cast %reduce_sum3A_80 : vector<128xf32> to vector<128x1xf32>
    %div3A_82 = arith.constant 1.000000e+00 : f32
    %div3A_83 = vector.broadcast %div3A_82 : f32 to vector<128x1xf32>
    %div3A_84 = arith.divf %div3A_83, %broadcast_in_dim3A_81 : vector<128x1xf32>
    %convert_element_type3A_85 = arith.truncf %exp3A_78 : vector<128x256xf32> to vector<128x256xbf16>
    %slice3A_86 = vector.extract_strided_slice %get3A_22 {offsets = [0, 128], sizes = [256, 64], strides = [1, 1]} : vector<256x1024xf32> to vector<256x64xf32>
    %convert_element_type3A_87 = arith.truncf %slice3A_86 : vector<256x64xf32> to vector<256x64xbf16>
    %dot_general3A_88 = arith.constant dense<0.000000e+00> : vector<128x64xf32>
    %dot_general3A_89 = tpu.matmul %convert_element_type3A_85, %convert_element_type3A_87, %dot_general3A_88 {dimension_numbers = #tpu.dot_dimension_numbers<[1], [0], [0], [1], [0, 0, 1, 1], [], []>, transpose_lhs_hint = false} : vector<128x256xbf16>, vector<256x64xbf16>, vector<128x64xf32> -> vector<128x64xf32>
    %mul3A_90 = vector.broadcast %div3A_84 : vector<128x1xf32> to vector<128x64xf32>
    %mul3A_91 = arith.mulf %dot_general3A_89, %mul3A_90 : vector<128x64xf32>
    %convert_element_type3A_92 = arith.truncf %mul3A_91 : vector<128x64xf32> to vector<128x64xbf16>
    %slice3A_93 = vector.extract_strided_slice %add3A_16 {offsets = [0, 192], sizes = [128, 64], strides = [1, 1]} : vector<128x1024xf32> to vector<128x64xf32>
    %slice3A_94 = vector.extract_strided_slice %get3A_19 {offsets = [0, 192], sizes = [256, 64], strides = [1, 1]} : vector<256x1024xf32> to vector<256x64xf32>
    %dot_general3A_95 = arith.constant dense<0.000000e+00> : vector<128x256xf32>
    %dot_general3A_96 = tpu.matmul %slice3A_93, %slice3A_94, %dot_general3A_95 {dimension_numbers = #tpu.dot_dimension_numbers<[1], [1], [0], [0], [0, 0, 1, 0], [], []>, transpose_lhs_hint = false} : vector<128x64xf32>, vector<256x64xf32>, vector<128x256xf32> -> vector<128x256xf32>
    %mul3A_97 = vector.broadcast %div3A_27 : f32 to vector<128x256xf32>
    %mul3A_98 = arith.mulf %dot_general3A_96, %mul3A_97 : vector<128x256xf32>
    %add3A_99 = arith.addf %mul3A_98, %get3A_30 : vector<128x256xf32>
    %exp3A_100 = math.exp %add3A_99 : vector<128x256xf32>
    %reduce_sum3A_101 = arith.constant dense<0.000000e+00> : vector<128xf32>
    %reduce_sum3A_102 = vector.multi_reduction <add>, %exp3A_100, %reduce_sum3A_101 [1] : vector<128x256xf32> to vector<128xf32>
    %broadcast_in_dim3A_103 = vector.shape_cast %reduce_sum3A_102 : vector<128xf32> to vector<128x1xf32>
    %div3A_104 = arith.constant 1.000000e+00 : f32
    %div3A_105 = vector.broadcast %div3A_104 : f32 to vector<128x1xf32>
    %div3A_106 = arith.divf %div3A_105, %broadcast_in_dim3A_103 : vector<128x1xf32>
    %convert_element_type3A_107 = arith.truncf %exp3A_100 : vector<128x256xf32> to vector<128x256xbf16>
    %slice3A_108 = vector.extract_strided_slice %get3A_22 {offsets = [0, 192], sizes = [256, 64], strides = [1, 1]} : vector<256x1024xf32> to vector<256x64xf32>
    %convert_element_type3A_109 = arith.truncf %slice3A_108 : vector<256x64xf32> to vector<256x64xbf16>
    %dot_general3A_110 = arith.constant dense<0.000000e+00> : vector<128x64xf32>
    %dot_general3A_111 = tpu.matmul %convert_element_type3A_107, %convert_element_type3A_109, %dot_general3A_110 {dimension_numbers = #tpu.dot_dimension_numbers<[1], [0], [0], [1], [0, 0, 1, 1], [], []>, transpose_lhs_hint = false} : vector<128x256xbf16>, vector<256x64xbf16>, vector<128x64xf32> -> vector<128x64xf32>
    %mul3A_112 = vector.broadcast %div3A_106 : vector<128x1xf32> to vector<128x64xf32>
    %mul3A_113 = arith.mulf %dot_general3A_111, %mul3A_112 : vector<128x64xf32>
    %convert_element_type3A_114 = arith.truncf %mul3A_113 : vector<128x64xf32> to vector<128x64xbf16>
    %slice3A_115 = vector.extract_strided_slice %add3A_16 {offsets = [0, 256], sizes = [128, 64], strides = [1, 1]} : vector<128x1024xf32> to vector<128x64xf32>
    %slice3A_116 = vector.extract_strided_slice %get3A_19 {offsets = [0, 256], sizes = [256, 64], strides = [1, 1]} : vector<256x1024xf32> to vector<256x64xf32>
    %dot_general3A_117 = arith.constant dense<0.000000e+00> : vector<128x256xf32>
    %dot_general3A_118 = tpu.matmul %slice3A_115, %slice3A_116, %dot_general3A_117 {dimension_numbers = #tpu.dot_dimension_numbers<[1], [1], [0], [0], [0, 0, 1, 0], [], []>, transpose_lhs_hint = false} : vector<128x64xf32>, vector<256x64xf32>, vector<128x256xf32> -> vector<128x256xf32>
    %mul3A_119 = vector.broadcast %div3A_27 : f32 to vector<128x256xf32>
    %mul3A_120 = arith.mulf %dot_general3A_118, %mul3A_119 : vector<128x256xf32>
    %add3A_121 = arith.addf %mul3A_120, %get3A_30 : vector<128x256xf32>
    %exp3A_122 = math.exp %add3A_121 : vector<128x256xf32>
    %reduce_sum3A_123 = arith.constant dense<0.000000e+00> : vector<128xf32>
    %reduce_sum3A_124 = vector.multi_reduction <add>, %exp3A_122, %reduce_sum3A_123 [1] : vector<128x256xf32> to vector<128xf32>
    %broadcast_in_dim3A_125 = vector.shape_cast %reduce_sum3A_124 : vector<128xf32> to vector<128x1xf32>
    %div3A_126 = arith.constant 1.000000e+00 : f32
    %div3A_127 = vector.broadcast %div3A_126 : f32 to vector<128x1xf32>
    %div3A_128 = arith.divf %div3A_127, %broadcast_in_dim3A_125 : vector<128x1xf32>
    %convert_element_type3A_129 = arith.truncf %exp3A_122 : vector<128x256xf32> to vector<128x256xbf16>
    %slice3A_130 = vector.extract_strided_slice %get3A_22 {offsets = [0, 256], sizes = [256, 64], strides = [1, 1]} : vector<256x1024xf32> to vector<256x64xf32>
    %convert_element_type3A_131 = arith.truncf %slice3A_130 : vector<256x64xf32> to vector<256x64xbf16>
    %dot_general3A_132 = arith.constant dense<0.000000e+00> : vector<128x64xf32>
    %dot_general3A_133 = tpu.matmul %convert_element_type3A_129, %convert_element_type3A_131, %dot_general3A_132 {dimension_numbers = #tpu.dot_dimension_numbers<[1], [0], [0], [1], [0, 0, 1, 1], [], []>, transpose_lhs_hint = false} : vector<128x256xbf16>, vector<256x64xbf16>, vector<128x64xf32> -> vector<128x64xf32>
    %mul3A_134 = vector.broadcast %div3A_128 : vector<128x1xf32> to vector<128x64xf32>
    %mul3A_135 = arith.mulf %dot_general3A_133, %mul3A_134 : vector<128x64xf32>
    %convert_element_type3A_136 = arith.truncf %mul3A_135 : vector<128x64xf32> to vector<128x64xbf16>
    %slice3A_137 = vector.extract_strided_slice %add3A_16 {offsets = [0, 320], sizes = [128, 64], strides = [1, 1]} : vector<128x1024xf32> to vector<128x64xf32>
    %slice3A_138 = vector.extract_strided_slice %get3A_19 {offsets = [0, 320], sizes = [256, 64], strides = [1, 1]} : vector<256x1024xf32> to vector<256x64xf32>
    %dot_general3A_139 = arith.constant dense<0.000000e+00> : vector<128x256xf32>
    %dot_general3A_140 = tpu.matmul %slice3A_137, %slice3A_138, %dot_general3A_139 {dimension_numbers = #tpu.dot_dimension_numbers<[1], [1], [0], [0], [0, 0, 1, 0], [], []>, transpose_lhs_hint = false} : vector<128x64xf32>, vector<256x64xf32>, vector<128x256xf32> -> vector<128x256xf32>
    %mul3A_141 = vector.broadcast %div3A_27 : f32 to vector<128x256xf32>
    %mul3A_142 = arith.mulf %dot_general3A_140, %mul3A_141 : vector<128x256xf32>
    %add3A_143 = arith.addf %mul3A_142, %get3A_30 : vector<128x256xf32>
    %exp3A_144 = math.exp %add3A_143 : vector<128x256xf32>
    %reduce_sum3A_145 = arith.constant dense<0.000000e+00> : vector<128xf32>
    %reduce_sum3A_146 = vector.multi_reduction <add>, %exp3A_144, %reduce_sum3A_145 [1] : vector<128x256xf32> to vector<128xf32>
    %broadcast_in_dim3A_147 = vector.shape_cast %reduce_sum3A_146 : vector<128xf32> to vector<128x1xf32>
    %div3A_148 = arith.constant 1.000000e+00 : f32
    %div3A_149 = vector.broadcast %div3A_148 : f32 to vector<128x1xf32>
    %div3A_150 = arith.divf %div3A_149, %broadcast_in_dim3A_147 : vector<128x1xf32>
    %convert_element_type3A_151 = arith.truncf %exp3A_144 : vector<128x256xf32> to vector<128x256xbf16>
    %slice3A_152 = vector.extract_strided_slice %get3A_22 {offsets = [0, 320], sizes = [256, 64], strides = [1, 1]} : vector<256x1024xf32> to vector<256x64xf32>
    %convert_element_type3A_153 = arith.truncf %slice3A_152 : vector<256x64xf32> to vector<256x64xbf16>
    %dot_general3A_154 = arith.constant dense<0.000000e+00> : vector<128x64xf32>
    %dot_general3A_155 = tpu.matmul %convert_element_type3A_151, %convert_element_type3A_153, %dot_general3A_154 {dimension_numbers = #tpu.dot_dimension_numbers<[1], [0], [0], [1], [0, 0, 1, 1], [], []>, transpose_lhs_hint = false} : vector<128x256xbf16>, vector<256x64xbf16>, vector<128x64xf32> -> vector<128x64xf32>
    %mul3A_156 = vector.broadcast %div3A_150 : vector<128x1xf32> to vector<128x64xf32>
    %mul3A_157 = arith.mulf %dot_general3A_155, %mul3A_156 : vector<128x64xf32>
    %convert_element_type3A_158 = arith.truncf %mul3A_157 : vector<128x64xf32> to vector<128x64xbf16>
    %slice3A_159 = vector.extract_strided_slice %add3A_16 {offsets = [0, 384], sizes = [128, 64], strides = [1, 1]} : vector<128x1024xf32> to vector<128x64xf32>
    %slice3A_160 = vector.extract_strided_slice %get3A_19 {offsets = [0, 384], sizes = [256, 64], strides = [1, 1]} : vector<256x1024xf32> to vector<256x64xf32>
    %dot_general3A_161 = arith.constant dense<0.000000e+00> : vector<128x256xf32>
    %dot_general3A_162 = tpu.matmul %slice3A_159, %slice3A_160, %dot_general3A_161 {dimension_numbers = #tpu.dot_dimension_numbers<[1], [1], [0], [0], [0, 0, 1, 0], [], []>, transpose_lhs_hint = false} : vector<128x64xf32>, vector<256x64xf32>, vector<128x256xf32> -> vector<128x256xf32>
    %mul3A_163 = vector.broadcast %div3A_27 : f32 to vector<128x256xf32>
    %mul3A_164 = arith.mulf %dot_general3A_162, %mul3A_163 : vector<128x256xf32>
    %add3A_165 = arith.addf %mul3A_164, %get3A_30 : vector<128x256xf32>
    %exp3A_166 = math.exp %add3A_165 : vector<128x256xf32>
    %reduce_sum3A_167 = arith.constant dense<0.000000e+00> : vector<128xf32>
    %reduce_sum3A_168 = vector.multi_reduction <add>, %exp3A_166, %reduce_sum3A_167 [1] : vector<128x256xf32> to vector<128xf32>
    %broadcast_in_dim3A_169 = vector.shape_cast %reduce_sum3A_168 : vector<128xf32> to vector<128x1xf32>
    %div3A_170 = arith.constant 1.000000e+00 : f32
    %div3A_171 = vector.broadcast %div3A_170 : f32 to vector<128x1xf32>
    %div3A_172 = arith.divf %div3A_171, %broadcast_in_dim3A_169 : vector<128x1xf32>
    %convert_element_type3A_173 = arith.truncf %exp3A_166 : vector<128x256xf32> to vector<128x256xbf16>
    %slice3A_174 = vector.extract_strided_slice %get3A_22 {offsets = [0, 384], sizes = [256, 64], strides = [1, 1]} : vector<256x1024xf32> to vector<256x64xf32>
    %convert_element_type3A_175 = arith.truncf %slice3A_174 : vector<256x64xf32> to vector<256x64xbf16>
    %dot_general3A_176 = arith.constant dense<0.000000e+00> : vector<128x64xf32>
    %dot_general3A_177 = tpu.matmul %convert_element_type3A_173, %convert_element_type3A_175, %dot_general3A_176 {dimension_numbers = #tpu.dot_dimension_numbers<[1], [0], [0], [1], [0, 0, 1, 1], [], []>, transpose_lhs_hint = false} : vector<128x256xbf16>, vector<256x64xbf16>, vector<128x64xf32> -> vector<128x64xf32>
    %mul3A_178 = vector.broadcast %div3A_172 : vector<128x1xf32> to vector<128x64xf32>
    %mul3A_179 = arith.mulf %dot_general3A_177, %mul3A_178 : vector<128x64xf32>
    %convert_element_type3A_180 = arith.truncf %mul3A_179 : vector<128x64xf32> to vector<128x64xbf16>
    %slice3A_181 = vector.extract_strided_slice %add3A_16 {offsets = [0, 448], sizes = [128, 64], strides = [1, 1]} : vector<128x1024xf32> to vector<128x64xf32>
    %slice3A_182 = vector.extract_strided_slice %get3A_19 {offsets = [0, 448], sizes = [256, 64], strides = [1, 1]} : vector<256x1024xf32> to vector<256x64xf32>
    %dot_general3A_183 = arith.constant dense<0.000000e+00> : vector<128x256xf32>
    %dot_general3A_184 = tpu.matmul %slice3A_181, %slice3A_182, %dot_general3A_183 {dimension_numbers = #tpu.dot_dimension_numbers<[1], [1], [0], [0], [0, 0, 1, 0], [], []>, transpose_lhs_hint = false} : vector<128x64xf32>, vector<256x64xf32>, vector<128x256xf32> -> vector<128x256xf32>
    %mul3A_185 = vector.broadcast %div3A_27 : f32 to vector<128x256xf32>
    %mul3A_186 = arith.mulf %dot_general3A_184, %mul3A_185 : vector<128x256xf32>
    %add3A_187 = arith.addf %mul3A_186, %get3A_30 : vector<128x256xf32>
    %exp3A_188 = math.exp %add3A_187 : vector<128x256xf32>
    %reduce_sum3A_189 = arith.constant dense<0.000000e+00> : vector<128xf32>
    %reduce_sum3A_190 = vector.multi_reduction <add>, %exp3A_188, %reduce_sum3A_189 [1] : vector<128x256xf32> to vector<128xf32>
    %broadcast_in_dim3A_191 = vector.shape_cast %reduce_sum3A_190 : vector<128xf32> to vector<128x1xf32>
    %div3A_192 = arith.constant 1.000000e+00 : f32
    %div3A_193 = vector.broadcast %div3A_192 : f32 to vector<128x1xf32>
    %div3A_194 = arith.divf %div3A_193, %broadcast_in_dim3A_191 : vector<128x1xf32>
    %convert_element_type3A_195 = arith.truncf %exp3A_188 : vector<128x256xf32> to vector<128x256xbf16>
    %slice3A_196 = vector.extract_strided_slice %get3A_22 {offsets = [0, 448], sizes = [256, 64], strides = [1, 1]} : vector<256x1024xf32> to vector<256x64xf32>
    %convert_element_type3A_197 = arith.truncf %slice3A_196 : vector<256x64xf32> to vector<256x64xbf16>
    %dot_general3A_198 = arith.constant dense<0.000000e+00> : vector<128x64xf32>
    %dot_general3A_199 = tpu.matmul %convert_element_type3A_195, %convert_element_type3A_197, %dot_general3A_198 {dimension_numbers = #tpu.dot_dimension_numbers<[1], [0], [0], [1], [0, 0, 1, 1], [], []>, transpose_lhs_hint = false} : vector<128x256xbf16>, vector<256x64xbf16>, vector<128x64xf32> -> vector<128x64xf32>
    %mul3A_200 = vector.broadcast %div3A_194 : vector<128x1xf32> to vector<128x64xf32>
    %mul3A_201 = arith.mulf %dot_general3A_199, %mul3A_200 : vector<128x64xf32>
    %convert_element_type3A_202 = arith.truncf %mul3A_201 : vector<128x64xf32> to vector<128x64xbf16>
    %slice3A_203 = vector.extract_strided_slice %add3A_16 {offsets = [0, 512], sizes = [128, 64], strides = [1, 1]} : vector<128x1024xf32> to vector<128x64xf32>
    %slice3A_204 = vector.extract_strided_slice %get3A_19 {offsets = [0, 512], sizes = [256, 64], strides = [1, 1]} : vector<256x1024xf32> to vector<256x64xf32>
    %dot_general3A_205 = arith.constant dense<0.000000e+00> : vector<128x256xf32>
    %dot_general3A_206 = tpu.matmul %slice3A_203, %slice3A_204, %dot_general3A_205 {dimension_numbers = #tpu.dot_dimension_numbers<[1], [1], [0], [0], [0, 0, 1, 0], [], []>, transpose_lhs_hint = false} : vector<128x64xf32>, vector<256x64xf32>, vector<128x256xf32> -> vector<128x256xf32>
    %mul3A_207 = vector.broadcast %div3A_27 : f32 to vector<128x256xf32>
    %mul3A_208 = arith.mulf %dot_general3A_206, %mul3A_207 : vector<128x256xf32>
    %add3A_209 = arith.addf %mul3A_208, %get3A_30 : vector<128x256xf32>
    %exp3A_210 = math.exp %add3A_209 : vector<128x256xf32>
    %reduce_sum3A_211 = arith.constant dense<0.000000e+00> : vector<128xf32>
    %reduce_sum3A_212 = vector.multi_reduction <add>, %exp3A_210, %reduce_sum3A_211 [1] : vector<128x256xf32> to vector<128xf32>
    %broadcast_in_dim3A_213 = vector.shape_cast %reduce_sum3A_212 : vector<128xf32> to vector<128x1xf32>
    %div3A_214 = arith.constant 1.000000e+00 : f32
    %div3A_215 = vector.broadcast %div3A_214 : f32 to vector<128x1xf32>
    %div3A_216 = arith.divf %div3A_215, %broadcast_in_dim3A_213 : vector<128x1xf32>
    %convert_element_type3A_217 = arith.truncf %exp3A_210 : vector<128x256xf32> to vector<128x256xbf16>
    %slice3A_218 = vector.extract_strided_slice %get3A_22 {offsets = [0, 512], sizes = [256, 64], strides = [1, 1]} : vector<256x1024xf32> to vector<256x64xf32>
    %convert_element_type3A_219 = arith.truncf %slice3A_218 : vector<256x64xf32> to vector<256x64xbf16>
    %dot_general3A_220 = arith.constant dense<0.000000e+00> : vector<128x64xf32>
    %dot_general3A_221 = tpu.matmul %convert_element_type3A_217, %convert_element_type3A_219, %dot_general3A_220 {dimension_numbers = #tpu.dot_dimension_numbers<[1], [0], [0], [1], [0, 0, 1, 1], [], []>, transpose_lhs_hint = false} : vector<128x256xbf16>, vector<256x64xbf16>, vector<128x64xf32> -> vector<128x64xf32>
    %mul3A_222 = vector.broadcast %div3A_216 : vector<128x1xf32> to vector<128x64xf32>
    %mul3A_223 = arith.mulf %dot_general3A_221, %mul3A_222 : vector<128x64xf32>
    %convert_element_type3A_224 = arith.truncf %mul3A_223 : vector<128x64xf32> to vector<128x64xbf16>
    %slice3A_225 = vector.extract_strided_slice %add3A_16 {offsets = [0, 576], sizes = [128, 64], strides = [1, 1]} : vector<128x1024xf32> to vector<128x64xf32>
    %slice3A_226 = vector.extract_strided_slice %get3A_19 {offsets = [0, 576], sizes = [256, 64], strides = [1, 1]} : vector<256x1024xf32> to vector<256x64xf32>
    %dot_general3A_227 = arith.constant dense<0.000000e+00> : vector<128x256xf32>
    %dot_general3A_228 = tpu.matmul %slice3A_225, %slice3A_226, %dot_general3A_227 {dimension_numbers = #tpu.dot_dimension_numbers<[1], [1], [0], [0], [0, 0, 1, 0], [], []>, transpose_lhs_hint = false} : vector<128x64xf32>, vector<256x64xf32>, vector<128x256xf32> -> vector<128x256xf32>
    %mul3A_229 = vector.broadcast %div3A_27 : f32 to vector<128x256xf32>
    %mul3A_230 = arith.mulf %dot_general3A_228, %mul3A_229 : vector<128x256xf32>
    %add3A_231 = arith.addf %mul3A_230, %get3A_30 : vector<128x256xf32>
    %exp3A_232 = math.exp %add3A_231 : vector<128x256xf32>
    %reduce_sum3A_233 = arith.constant dense<0.000000e+00> : vector<128xf32>
    %reduce_sum3A_234 = vector.multi_reduction <add>, %exp3A_232, %reduce_sum3A_233 [1] : vector<128x256xf32> to vector<128xf32>
    %broadcast_in_dim3A_235 = vector.shape_cast %reduce_sum3A_234 : vector<128xf32> to vector<128x1xf32>
    %div3A_236 = arith.constant 1.000000e+00 : f32
    %div3A_237 = vector.broadcast %div3A_236 : f32 to vector<128x1xf32>
    %div3A_238 = arith.divf %div3A_237, %broadcast_in_dim3A_235 : vector<128x1xf32>
    %convert_element_type3A_239 = arith.truncf %exp3A_232 : vector<128x256xf32> to vector<128x256xbf16>
    %slice3A_240 = vector.extract_strided_slice %get3A_22 {offsets = [0, 576], sizes = [256, 64], strides = [1, 1]} : vector<256x1024xf32> to vector<256x64xf32>
    %convert_element_type3A_241 = arith.truncf %slice3A_240 : vector<256x64xf32> to vector<256x64xbf16>
    %dot_general3A_242 = arith.constant dense<0.000000e+00> : vector<128x64xf32>
    %dot_general3A_243 = tpu.matmul %convert_element_type3A_239, %convert_element_type3A_241, %dot_general3A_242 {dimension_numbers = #tpu.dot_dimension_numbers<[1], [0], [0], [1], [0, 0, 1, 1], [], []>, transpose_lhs_hint = false} : vector<128x256xbf16>, vector<256x64xbf16>, vector<128x64xf32> -> vector<128x64xf32>
    %mul3A_244 = vector.broadcast %div3A_238 : vector<128x1xf32> to vector<128x64xf32>
    %mul3A_245 = arith.mulf %dot_general3A_243, %mul3A_244 : vector<128x64xf32>
    %convert_element_type3A_246 = arith.truncf %mul3A_245 : vector<128x64xf32> to vector<128x64xbf16>
    %slice3A_247 = vector.extract_strided_slice %add3A_16 {offsets = [0, 640], sizes = [128, 64], strides = [1, 1]} : vector<128x1024xf32> to vector<128x64xf32>
    %slice3A_248 = vector.extract_strided_slice %get3A_19 {offsets = [0, 640], sizes = [256, 64], strides = [1, 1]} : vector<256x1024xf32> to vector<256x64xf32>
    %dot_general3A_249 = arith.constant dense<0.000000e+00> : vector<128x256xf32>
    %dot_general3A_250 = tpu.matmul %slice3A_247, %slice3A_248, %dot_general3A_249 {dimension_numbers = #tpu.dot_dimension_numbers<[1], [1], [0], [0], [0, 0, 1, 0], [], []>, transpose_lhs_hint = false} : vector<128x64xf32>, vector<256x64xf32>, vector<128x256xf32> -> vector<128x256xf32>
    %mul3A_251 = vector.broadcast %div3A_27 : f32 to vector<128x256xf32>
    %mul3A_252 = arith.mulf %dot_general3A_250, %mul3A_251 : vector<128x256xf32>
    %add3A_253 = arith.addf %mul3A_252, %get3A_30 : vector<128x256xf32>
    %exp3A_254 = math.exp %add3A_253 : vector<128x256xf32>
    %reduce_sum3A_255 = arith.constant dense<0.000000e+00> : vector<128xf32>
    %reduce_sum3A_256 = vector.multi_reduction <add>, %exp3A_254, %reduce_sum3A_255 [1] : vector<128x256xf32> to vector<128xf32>
    %broadcast_in_dim3A_257 = vector.shape_cast %reduce_sum3A_256 : vector<128xf32> to vector<128x1xf32>
    %div3A_258 = arith.constant 1.000000e+00 : f32
    %div3A_259 = vector.broadcast %div3A_258 : f32 to vector<128x1xf32>
    %div3A_260 = arith.divf %div3A_259, %broadcast_in_dim3A_257 : vector<128x1xf32>
    %convert_element_type3A_261 = arith.truncf %exp3A_254 : vector<128x256xf32> to vector<128x256xbf16>
    %slice3A_262 = vector.extract_strided_slice %get3A_22 {offsets = [0, 640], sizes = [256, 64], strides = [1, 1]} : vector<256x1024xf32> to vector<256x64xf32>
    %convert_element_type3A_263 = arith.truncf %slice3A_262 : vector<256x64xf32> to vector<256x64xbf16>
    %dot_general3A_264 = arith.constant dense<0.000000e+00> : vector<128x64xf32>
    %dot_general3A_265 = tpu.matmul %convert_element_type3A_261, %convert_element_type3A_263, %dot_general3A_264 {dimension_numbers = #tpu.dot_dimension_numbers<[1], [0], [0], [1], [0, 0, 1, 1], [], []>, transpose_lhs_hint = false} : vector<128x256xbf16>, vector<256x64xbf16>, vector<128x64xf32> -> vector<128x64xf32>
    %mul3A_266 = vector.broadcast %div3A_260 : vector<128x1xf32> to vector<128x64xf32>
    %mul3A_267 = arith.mulf %dot_general3A_265, %mul3A_266 : vector<128x64xf32>
    %convert_element_type3A_268 = arith.truncf %mul3A_267 : vector<128x64xf32> to vector<128x64xbf16>
    %slice3A_269 = vector.extract_strided_slice %add3A_16 {offsets = [0, 704], sizes = [128, 64], strides = [1, 1]} : vector<128x1024xf32> to vector<128x64xf32>
    %slice3A_270 = vector.extract_strided_slice %get3A_19 {offsets = [0, 704], sizes = [256, 64], strides = [1, 1]} : vector<256x1024xf32> to vector<256x64xf32>
    %dot_general3A_271 = arith.constant dense<0.000000e+00> : vector<128x256xf32>
    %dot_general3A_272 = tpu.matmul %slice3A_269, %slice3A_270, %dot_general3A_271 {dimension_numbers = #tpu.dot_dimension_numbers<[1], [1], [0], [0], [0, 0, 1, 0], [], []>, transpose_lhs_hint = false} : vector<128x64xf32>, vector<256x64xf32>, vector<128x256xf32> -> vector<128x256xf32>
    %mul3A_273 = vector.broadcast %div3A_27 : f32 to vector<128x256xf32>
    %mul3A_274 = arith.mulf %dot_general3A_272, %mul3A_273 : vector<128x256xf32>
    %add3A_275 = arith.addf %mul3A_274, %get3A_30 : vector<128x256xf32>
    %exp3A_276 = math.exp %add3A_275 : vector<128x256xf32>
    %reduce_sum3A_277 = arith.constant dense<0.000000e+00> : vector<128xf32>
    %reduce_sum3A_278 = vector.multi_reduction <add>, %exp3A_276, %reduce_sum3A_277 [1] : vector<128x256xf32> to vector<128xf32>
    %broadcast_in_dim3A_279 = vector.shape_cast %reduce_sum3A_278 : vector<128xf32> to vector<128x1xf32>
    %div3A_280 = arith.constant 1.000000e+00 : f32
    %div3A_281 = vector.broadcast %div3A_280 : f32 to vector<128x1xf32>
    %div3A_282 = arith.divf %div3A_281, %broadcast_in_dim3A_279 : vector<128x1xf32>
    %convert_element_type3A_283 = arith.truncf %exp3A_276 : vector<128x256xf32> to vector<128x256xbf16>
    %slice3A_284 = vector.extract_strided_slice %get3A_22 {offsets = [0, 704], sizes = [256, 64], strides = [1, 1]} : vector<256x1024xf32> to vector<256x64xf32>
    %convert_element_type3A_285 = arith.truncf %slice3A_284 : vector<256x64xf32> to vector<256x64xbf16>
    %dot_general3A_286 = arith.constant dense<0.000000e+00> : vector<128x64xf32>
    %dot_general3A_287 = tpu.matmul %convert_element_type3A_283, %convert_element_type3A_285, %dot_general3A_286 {dimension_numbers = #tpu.dot_dimension_numbers<[1], [0], [0], [1], [0, 0, 1, 1], [], []>, transpose_lhs_hint = false} : vector<128x256xbf16>, vector<256x64xbf16>, vector<128x64xf32> -> vector<128x64xf32>
    %mul3A_288 = vector.broadcast %div3A_282 : vector<128x1xf32> to vector<128x64xf32>
    %mul3A_289 = arith.mulf %dot_general3A_287, %mul3A_288 : vector<128x64xf32>
    %convert_element_type3A_290 = arith.truncf %mul3A_289 : vector<128x64xf32> to vector<128x64xbf16>
    %slice3A_291 = vector.extract_strided_slice %add3A_16 {offsets = [0, 768], sizes = [128, 64], strides = [1, 1]} : vector<128x1024xf32> to vector<128x64xf32>
    %slice3A_292 = vector.extract_strided_slice %get3A_19 {offsets = [0, 768], sizes = [256, 64], strides = [1, 1]} : vector<256x1024xf32> to vector<256x64xf32>
    %dot_general3A_293 = arith.constant dense<0.000000e+00> : vector<128x256xf32>
    %dot_general3A_294 = tpu.matmul %slice3A_291, %slice3A_292, %dot_general3A_293 {dimension_numbers = #tpu.dot_dimension_numbers<[1], [1], [0], [0], [0, 0, 1, 0], [], []>, transpose_lhs_hint = false} : vector<128x64xf32>, vector<256x64xf32>, vector<128x256xf32> -> vector<128x256xf32>
    %mul3A_295 = vector.broadcast %div3A_27 : f32 to vector<128x256xf32>
    %mul3A_296 = arith.mulf %dot_general3A_294, %mul3A_295 : vector<128x256xf32>
    %add3A_297 = arith.addf %mul3A_296, %get3A_30 : vector<128x256xf32>
    %exp3A_298 = math.exp %add3A_297 : vector<128x256xf32>
    %reduce_sum3A_299 = arith.constant dense<0.000000e+00> : vector<128xf32>
    %reduce_sum3A_300 = vector.multi_reduction <add>, %exp3A_298, %reduce_sum3A_299 [1] : vector<128x256xf32> to vector<128xf32>
    %broadcast_in_dim3A_301 = vector.shape_cast %reduce_sum3A_300 : vector<128xf32> to vector<128x1xf32>
    %div3A_302 = arith.constant 1.000000e+00 : f32
    %div3A_303 = vector.broadcast %div3A_302 : f32 to vector<128x1xf32>
    %div3A_304 = arith.divf %div3A_303, %broadcast_in_dim3A_301 : vector<128x1xf32>
    %convert_element_type3A_305 = arith.truncf %exp3A_298 : vector<128x256xf32> to vector<128x256xbf16>
    %slice3A_306 = vector.extract_strided_slice %get3A_22 {offsets = [0, 768], sizes = [256, 64], strides = [1, 1]} : vector<256x1024xf32> to vector<256x64xf32>
    %convert_element_type3A_307 = arith.truncf %slice3A_306 : vector<256x64xf32> to vector<256x64xbf16>
    %dot_general3A_308 = arith.constant dense<0.000000e+00> : vector<128x64xf32>
    %dot_general3A_309 = tpu.matmul %convert_element_type3A_305, %convert_element_type3A_307, %dot_general3A_308 {dimension_numbers = #tpu.dot_dimension_numbers<[1], [0], [0], [1], [0, 0, 1, 1], [], []>, transpose_lhs_hint = false} : vector<128x256xbf16>, vector<256x64xbf16>, vector<128x64xf32> -> vector<128x64xf32>
    %mul3A_310 = vector.broadcast %div3A_304 : vector<128x1xf32> to vector<128x64xf32>
    %mul3A_311 = arith.mulf %dot_general3A_309, %mul3A_310 : vector<128x64xf32>
    %convert_element_type3A_312 = arith.truncf %mul3A_311 : vector<128x64xf32> to vector<128x64xbf16>
    %slice3A_313 = vector.extract_strided_slice %add3A_16 {offsets = [0, 832], sizes = [128, 64], strides = [1, 1]} : vector<128x1024xf32> to vector<128x64xf32>
    %slice3A_314 = vector.extract_strided_slice %get3A_19 {offsets = [0, 832], sizes = [256, 64], strides = [1, 1]} : vector<256x1024xf32> to vector<256x64xf32>
    %dot_general3A_315 = arith.constant dense<0.000000e+00> : vector<128x256xf32>
    %dot_general3A_316 = tpu.matmul %slice3A_313, %slice3A_314, %dot_general3A_315 {dimension_numbers = #tpu.dot_dimension_numbers<[1], [1], [0], [0], [0, 0, 1, 0], [], []>, transpose_lhs_hint = false} : vector<128x64xf32>, vector<256x64xf32>, vector<128x256xf32> -> vector<128x256xf32>
    %mul3A_317 = vector.broadcast %div3A_27 : f32 to vector<128x256xf32>
    %mul3A_318 = arith.mulf %dot_general3A_316, %mul3A_317 : vector<128x256xf32>
    %add3A_319 = arith.addf %mul3A_318, %get3A_30 : vector<128x256xf32>
    %exp3A_320 = math.exp %add3A_319 : vector<128x256xf32>
    %reduce_sum3A_321 = arith.constant dense<0.000000e+00> : vector<128xf32>
    %reduce_sum3A_322 = vector.multi_reduction <add>, %exp3A_320, %reduce_sum3A_321 [1] : vector<128x256xf32> to vector<128xf32>
    %broadcast_in_dim3A_323 = vector.shape_cast %reduce_sum3A_322 : vector<128xf32> to vector<128x1xf32>
    %div3A_324 = arith.constant 1.000000e+00 : f32
    %div3A_325 = vector.broadcast %div3A_324 : f32 to vector<128x1xf32>
    %div3A_326 = arith.divf %div3A_325, %broadcast_in_dim3A_323 : vector<128x1xf32>
    %convert_element_type3A_327 = arith.truncf %exp3A_320 : vector<128x256xf32> to vector<128x256xbf16>
    %slice3A_328 = vector.extract_strided_slice %get3A_22 {offsets = [0, 832], sizes = [256, 64], strides = [1, 1]} : vector<256x1024xf32> to vector<256x64xf32>
    %convert_element_type3A_329 = arith.truncf %slice3A_328 : vector<256x64xf32> to vector<256x64xbf16>
    %dot_general3A_330 = arith.constant dense<0.000000e+00> : vector<128x64xf32>
    %dot_general3A_331 = tpu.matmul %convert_element_type3A_327, %convert_element_type3A_329, %dot_general3A_330 {dimension_numbers = #tpu.dot_dimension_numbers<[1], [0], [0], [1], [0, 0, 1, 1], [], []>, transpose_lhs_hint = false} : vector<128x256xbf16>, vector<256x64xbf16>, vector<128x64xf32> -> vector<128x64xf32>
    %mul3A_332 = vector.broadcast %div3A_326 : vector<128x1xf32> to vector<128x64xf32>
    %mul3A_333 = arith.mulf %dot_general3A_331, %mul3A_332 : vector<128x64xf32>
    %convert_element_type3A_334 = arith.truncf %mul3A_333 : vector<128x64xf32> to vector<128x64xbf16>
    %slice3A_335 = vector.extract_strided_slice %add3A_16 {offsets = [0, 896], sizes = [128, 64], strides = [1, 1]} : vector<128x1024xf32> to vector<128x64xf32>
    %slice3A_336 = vector.extract_strided_slice %get3A_19 {offsets = [0, 896], sizes = [256, 64], strides = [1, 1]} : vector<256x1024xf32> to vector<256x64xf32>
    %dot_general3A_337 = arith.constant dense<0.000000e+00> : vector<128x256xf32>
    %dot_general3A_338 = tpu.matmul %slice3A_335, %slice3A_336, %dot_general3A_337 {dimension_numbers = #tpu.dot_dimension_numbers<[1], [1], [0], [0], [0, 0, 1, 0], [], []>, transpose_lhs_hint = false} : vector<128x64xf32>, vector<256x64xf32>, vector<128x256xf32> -> vector<128x256xf32>
    %mul3A_339 = vector.broadcast %div3A_27 : f32 to vector<128x256xf32>
    %mul3A_340 = arith.mulf %dot_general3A_338, %mul3A_339 : vector<128x256xf32>
    %add3A_341 = arith.addf %mul3A_340, %get3A_30 : vector<128x256xf32>
    %exp3A_342 = math.exp %add3A_341 : vector<128x256xf32>
    %reduce_sum3A_343 = arith.constant dense<0.000000e+00> : vector<128xf32>
    %reduce_sum3A_344 = vector.multi_reduction <add>, %exp3A_342, %reduce_sum3A_343 [1] : vector<128x256xf32> to vector<128xf32>
    %broadcast_in_dim3A_345 = vector.shape_cast %reduce_sum3A_344 : vector<128xf32> to vector<128x1xf32>
    %div3A_346 = arith.constant 1.000000e+00 : f32
    %div3A_347 = vector.broadcast %div3A_346 : f32 to vector<128x1xf32>
    %div3A_348 = arith.divf %div3A_347, %broadcast_in_dim3A_345 : vector<128x1xf32>
    %convert_element_type3A_349 = arith.truncf %exp3A_342 : vector<128x256xf32> to vector<128x256xbf16>
    %slice3A_350 = vector.extract_strided_slice %get3A_22 {offsets = [0, 896], sizes = [256, 64], strides = [1, 1]} : vector<256x1024xf32> to vector<256x64xf32>
    %convert_element_type3A_351 = arith.truncf %slice3A_350 : vector<256x64xf32> to vector<256x64xbf16>
    %dot_general3A_352 = arith.constant dense<0.000000e+00> : vector<128x64xf32>
    %dot_general3A_353 = tpu.matmul %convert_element_type3A_349, %convert_element_type3A_351, %dot_general3A_352 {dimension_numbers = #tpu.dot_dimension_numbers<[1], [0], [0], [1], [0, 0, 1, 1], [], []>, transpose_lhs_hint = false} : vector<128x256xbf16>, vector<256x64xbf16>, vector<128x64xf32> -> vector<128x64xf32>
    %mul3A_354 = vector.broadcast %div3A_348 : vector<128x1xf32> to vector<128x64xf32>
    %mul3A_355 = arith.mulf %dot_general3A_353, %mul3A_354 : vector<128x64xf32>
    %convert_element_type3A_356 = arith.truncf %mul3A_355 : vector<128x64xf32> to vector<128x64xbf16>
    %slice3A_357 = vector.extract_strided_slice %add3A_16 {offsets = [0, 960], sizes = [128, 64], strides = [1, 1]} : vector<128x1024xf32> to vector<128x64xf32>
    %slice3A_358 = vector.extract_strided_slice %get3A_19 {offsets = [0, 960], sizes = [256, 64], strides = [1, 1]} : vector<256x1024xf32> to vector<256x64xf32>
    %dot_general3A_359 = arith.constant dense<0.000000e+00> : vector<128x256xf32>
    %dot_general3A_360 = tpu.matmul %slice3A_357, %slice3A_358, %dot_general3A_359 {dimension_numbers = #tpu.dot_dimension_numbers<[1], [1], [0], [0], [0, 0, 1, 0], [], []>, transpose_lhs_hint = false} : vector<128x64xf32>, vector<256x64xf32>, vector<128x256xf32> -> vector<128x256xf32>
    %mul3A_361 = vector.broadcast %div3A_27 : f32 to vector<128x256xf32>
    %mul3A_362 = arith.mulf %dot_general3A_360, %mul3A_361 : vector<128x256xf32>
    %add3A_363 = arith.addf %mul3A_362, %get3A_30 : vector<128x256xf32>
    %exp3A_364 = math.exp %add3A_363 : vector<128x256xf32>
    %reduce_sum3A_365 = arith.constant dense<0.000000e+00> : vector<128xf32>
    %reduce_sum3A_366 = vector.multi_reduction <add>, %exp3A_364, %reduce_sum3A_365 [1] : vector<128x256xf32> to vector<128xf32>
    %broadcast_in_dim3A_367 = vector.shape_cast %reduce_sum3A_366 : vector<128xf32> to vector<128x1xf32>
    %div3A_368 = arith.constant 1.000000e+00 : f32
    %div3A_369 = vector.broadcast %div3A_368 : f32 to vector<128x1xf32>
    %div3A_370 = arith.divf %div3A_369, %broadcast_in_dim3A_367 : vector<128x1xf32>
    %convert_element_type3A_371 = arith.truncf %exp3A_364 : vector<128x256xf32> to vector<128x256xbf16>
    %slice3A_372 = vector.extract_strided_slice %get3A_22 {offsets = [0, 960], sizes = [256, 64], strides = [1, 1]} : vector<256x1024xf32> to vector<256x64xf32>
    %convert_element_type3A_373 = arith.truncf %slice3A_372 : vector<256x64xf32> to vector<256x64xbf16>
    %dot_general3A_374 = arith.constant dense<0.000000e+00> : vector<128x64xf32>
    %dot_general3A_375 = tpu.matmul %convert_element_type3A_371, %convert_element_type3A_373, %dot_general3A_374 {dimension_numbers = #tpu.dot_dimension_numbers<[1], [0], [0], [1], [0, 0, 1, 1], [], []>, transpose_lhs_hint = false} : vector<128x256xbf16>, vector<256x64xbf16>, vector<128x64xf32> -> vector<128x64xf32>
    %mul3A_376 = vector.broadcast %div3A_370 : vector<128x1xf32> to vector<128x64xf32>
    %mul3A_377 = arith.mulf %dot_general3A_375, %mul3A_376 : vector<128x64xf32>
    %convert_element_type3A_378 = arith.truncf %mul3A_377 : vector<128x64xf32> to vector<128x64xbf16>
    %concatenate3A = tpu.concatenate %convert_element_type3A_48, %convert_element_type3A_70, %convert_element_type3A_92, %convert_element_type3A_114, %convert_element_type3A_136, %convert_element_type3A_158, %convert_element_type3A_180, %convert_element_type3A_202, %convert_element_type3A_224, %convert_element_type3A_246, %convert_element_type3A_268, %convert_element_type3A_290, %convert_element_type3A_312, %convert_element_type3A_334, %convert_element_type3A_356, %convert_element_type3A_378 in 1 : vector<128x64xbf16>, vector<128x64xbf16>, vector<128x64xbf16>, vector<128x64xbf16>, vector<128x64xbf16>, vector<128x64xbf16>, vector<128x64xbf16>, vector<128x64xbf16>, vector<128x64xbf16>, vector<128x64xbf16>, vector<128x64xbf16>, vector<128x64xbf16>, vector<128x64xbf16>, vector<128x64xbf16>, vector<128x64xbf16>, vector<128x64xbf16> -> vector<128x1024xbf16>
    %get3A_379 = arith.constant 0 : index
    %get3A_380 = arith.constant 0 : index
    %get3A_381 = vector.load %arg10[%get3A_379, %get3A_380] : memref<1024x1024xf32, #tpu.memory_space<vmem>>, vector<1024x1024xf32>
    %convert_element_type3A_382 = arith.truncf %get3A_381 : vector<1024x1024xf32> to vector<1024x1024xbf16>
    %dot_general3A_383 = arith.constant dense<0.000000e+00> : vector<128x1024xf32>
    %dot_general3A_384 = tpu.matmul %concatenate3A, %convert_element_type3A_382, %dot_general3A_383 {dimension_numbers = #tpu.dot_dimension_numbers<[1], [1], [0], [0], [0, 0, 1, 0], [], []>, transpose_lhs_hint = false} : vector<128x1024xbf16>, vector<1024x1024xbf16>, vector<128x1024xf32> -> vector<128x1024xf32>
    %get3A_385 = arith.constant 0 : index
    %get3A_386 = arith.constant 0 : index
    %get3A_387 = vector.load %arg11[%get3A_385, %get3A_386] : memref<1x1024xf32, #tpu.memory_space<vmem>>, vector<1x1024xf32>
    %add3A_388 = vector.broadcast %get3A_387 : vector<1x1024xf32> to vector<128x1024xf32>
    %add3A_389 = arith.addf %dot_general3A_384, %add3A_388 : vector<128x1024xf32>
    %swap3A = arith.constant 0 : index
    %swap3A_390 = arith.constant 0 : index
    %swap3A_391 = vector.load %arg12[%swap3A, %swap3A_390] : memref<128x1024xf32, #tpu.memory_space<vmem>>, vector<128x1024xf32>
    tpu.vector_store %arg12[%swap3A, %swap3A_390], %add3A_389 {strides = array<i32>} : memref<128x1024xf32, #tpu.memory_space<vmem>>, vector<128x1024xf32>,
    return
  }
  func.func @transform_0(%arg0: i32) -> (i32, i32) {
    %c0_i32 = arith.constant 0 : i32
    %c0_i32_0 = arith.constant 0 : i32
    %c0_i32_1 = arith.constant 0 : i32
    return %c0_i32, %c0_i32_0 : i32, i32
  }
  func.func @transform_1(%arg0: i32) -> (i32, i32) {
    %c0_i32 = arith.constant 0 : i32
    %c0_i32_0 = arith.constant 0 : i32
    %c0_i32_1 = arith.constant 0 : i32
    return %c0_i32, %c0_i32_0 : i32, i32
  }
  func.func @transform_2(%arg0: i32) -> (i32, i32) {
    %c0_i32 = arith.constant 0 : i32
    %c0_i32_0 = arith.constant 0 : i32
    %c0_i32_1 = arith.constant 0 : i32
    return %c0_i32, %c0_i32_0 : i32, i32
  }
  func.func @transform_3(%arg0: i32) -> (i32, i32) {
    %c0_i32 = arith.constant 0 : i32
    %c0_i32_0 = arith.constant 0 : i32
    %c0_i32_1 = arith.constant 0 : i32
    return %c0_i32, %c0_i32_0 : i32, i32
  }
  func.func @transform_4(%arg0: i32) -> (i32, i32) {
    %c0_i32 = arith.constant 0 : i32
    %c0_i32_0 = arith.constant 0 : i32
    %c0_i32_1 = arith.constant 0 : i32
    return %c0_i32, %c0_i32_0 : i32, i32
  }
  func.func @transform_5(%arg0: i32) -> (i32, i32) {
    %c0_i32 = arith.constant 0 : i32
    %c0_i32_0 = arith.constant 0 : i32
    %c0_i32_1 = arith.constant 0 : i32
    return %c0_i32, %c0_i32_0 : i32, i32
  }
  func.func @transform_6(%arg0: i32) -> (i32, i32) {
    %c0_i32 = arith.constant 0 : i32
    %c0_i32_0 = arith.constant 0 : i32
    %c0_i32_1 = arith.constant 0 : i32
    return %c0_i32, %c0_i32_0 : i32, i32
  }
  func.func @transform_7(%arg0: i32) -> (i32, i32) {
    %c0_i32 = arith.constant 0 : i32
    %c0_i32_0 = arith.constant 0 : i32
    %c0_i32_1 = arith.constant 0 : i32
    return %c0_i32, %c0_i32_0 : i32, i32
  }
  func.func @transform_8(%arg0: i32) -> (i32, i32) {
    %c0_i32 = arith.constant 0 : i32
    %c0_i32_0 = arith.constant 0 : i32
    return %arg0, %c0_i32 : i32, i32
  }
  func.func @transform_9(%arg0: i32) -> (i32, i32) {
    %c0_i32 = arith.constant 0 : i32
    %c0_i32_0 = arith.constant 0 : i32
    %c0_i32_1 = arith.constant 0 : i32
    return %c0_i32, %c0_i32_0 : i32, i32
  }
  func.func @transform_10(%arg0: i32) -> (i32, i32) {
    %c0_i32 = arith.constant 0 : i32
    %c0_i32_0 = arith.constant 0 : i32
    %c0_i32_1 = arith.constant 0 : i32
    return %c0_i32, %c0_i32_0 : i32, i32
  }
  func.func @transform_11(%arg0: i32) -> (i32, i32) {
    %c0_i32 = arith.constant 0 : i32
    %c0_i32_0 = arith.constant 0 : i32
    return %arg0, %c0_i32 : i32, i32
  }
}

</mosaic_0001>

<sc_bundles>
// kernel: kernel.5.cloned.1.call-start
scs
__scs_entry_jumppad:
0x0: {  	(pc) =	sbr.rel $0x88, $3  }
0x1: {  	(tag) =	ssettag $0x0;
	lr =	simm.s32 $0x1  }
0x2: {  	[smem:$0x3F97] =	sst lr;
	_ =	strace $0xD0000000  }
0x3: {  	_ = 	snop  }
0x4: {  	_ = 	snop  }
0x5: {  	_ = 	snop  }
0x6: {  	_ = 	snop  }
0x7: {  	_ = 	snop  }
__scs_overlays_trampoline_lowered:
0x8: {  	[smem:$0x3FA6] =	sst s0  }
0x9: {  	[smem:$0x3FA7] =	sst s1  }
0xa: {  	[smem:$0x3FA8] =	sst s2  }
0xb: {  	[smem:$0x3FA9] =	sst s3  }
0xc: {  	[smem:$0x3FAA] =	sst s4  }
0xd: {  	[smem:$0x3FAB] =	sst s5  }
0xe: {  	[smem:$0x3FAC] =	sst s6  }
0xf: {  	[smem:$0x3FAD] =	sst s7  }
0x10: {  	[smem:$0x3FAE] =	sst s8  }
0x11: {  	[smem:$0x3FAF] =	sst s9;
	s0 =	simm.s32 @!p0 $0x0  }
0x12: {  	s1 =	sld [smem:$0x3F95];
	s0 =	simm.s32 @p0 $0x1  }
0x13: {  	[smem:$0x3FB0] =	sst s0;
	s0 =	simm.s32 @!p1 $0x0  }
0x14: {  	s2 =	sld [smem:$0x3F94];
	s0 =	simm.s32 @p1 $0x1  }
0x15: {  	[smem:$0x3FB1] =	sst s0;
	s0 =	simm.s32 @!p2 $0x0  }
0x16: {  	s3 =	sld [smem:$0x3FDB];
	s0 =	simm.s32 @p2 $0x1  }
0x17: {  	s4 =	simm.s32 $0x1BF5;
	[smem:$0x3FB3] =	sst s0  }
0x18: {  	s0 =	sld [smem:$0x3F96];
	_ =	swait.ge [sflag:s4], $0x0  }
0x19: {  	s7 =	sld [smem:$0x3F97]  }
0x1a: {  	s8 =	sadd.s32 $0xFFFFE003, lr  }
0x1b: {  	s9 =	sadd.s32 $0xFFFFFEF7, lr;
	s5 =	simm.s32 $0xFFFFFFFF;
	p2 =	slt.u32 s8, $0xFFFFF086  }
0x1c: {  	p1 =	slt.u32 s9, $0xF7A;
	s5 =	simm.s32 @!p2 $0x0  }
0x1d: {  	s5 =	simm.s32 @p1 $0x1;
	p0 =	seq.s32 s7, s2  }
0x1e: {  	s7 =	smul.u32 @!p0 $0xF7A, s2;
	p2 =	seq.s32 @!p0 s5, $0x0  }
0x1f: {  	s9 =	smul.u32 $0xF7A, s1;
	s8 =	simm.s32 @!p0 $0x1BF5;
	p2 =	por !p2, p0  }
0x20: {  	[sflag:s8] =	ssyncset.s32 @!p0 $0xFFFFF086;
	s6 =	sadd.s32 @!p0 s3, s7;
	s7 =	simm.s32 @!p0 $0x108  }
0x21: {  	s3 =	sadd.s32 s3, s9;
	s6 =	sadd.s32 @!p0 $0x88, s6;
	s7 =	simm.s32 @p2 $0x1082  }
0x22: {  	[simem:s7], [sflag:s8] =	dma.local @!p0 [hbm:s6], $0xF7A  }
0x23: {  	s9 =	sor.u32 $0xD0000000, s2;
	s6 =	simm.s32 $0x108;
	_ =	swait.ge @!p0 [sflag:s8], $0x0  }
0x24: {  	s3 =	sadd.s32 $0x88, s3;
	s6 =	simm.s32 @!p1 $0x1082;
	[sflag:s4] =	ssyncset.s32 $0xFFFFF086  }
0x25: {  	[simem:s6], [sflag:s4] =	dma.local [hbm:s3], $0xF7A  }
0x26: {  	[smem:$0x3F97] =	sst s1;
	(tag) =	ssettag s2;
	_ =	strace s9  }
0x27: {  	s1 =	sld [smem:$0x3FA7]  }
0x28: {  	s2 =	sld [smem:$0x3FA8]  }
0x29: {  	s4 =	sld [smem:$0x3FAA]  }
0x2a: {  	p0 =	seq.s32 s5, $0x0;
	s5 =	sld [smem:$0x3FAB]  }
0x2b: {  	s6 =	sld [smem:$0x3FAC]  }
0x2c: {  	s7 =	sld [smem:$0x3FAD]  }
0x2d: {  	s3 =	simm.s32 $0x108;
	s8 =	sld [smem:$0x3FAE]  }
0x2e: {  	s3 =	simm.s32 @!p0 $0x1082;
	s9 =	sld [smem:$0x3FAF]  }
0x2f: {  	lr =	sadd.s32 s0, s3;
	s0 =	sld [smem:$0x3FA6]  }
0x30: {  	s3 =	sld [smem:$0x3FA9]  }
0x31: {  	[smem:$0x3FB2] =	sst s10  }
0x32: {  	s10 =	sld [smem:$0x3FB0];
	_ =	sdelay $0x3  }
0x33: {  	p0 =	seq.s32 s10, $0x1;
	s10 =	sld [smem:$0x3FB2];
	_ =	sdelay $0x3  }
0x34: {  	[smem:$0x3FB2] =	sst s10  }
0x35: {  	s10 =	sld [smem:$0x3FB1];
	_ =	sdelay $0x3  }
0x36: {  	p1 =	seq.s32 s10, $0x1;
	s10 =	sld [smem:$0x3FB2];
	_ =	sdelay $0x3  }
0x37: {  	[smem:$0x3FB2] =	sst s10  }
0x38: {  	s10 =	sld [smem:$0x3FB3]  }
0x39: {  	_ = 	snop;
	(pc) =	sbr.ind lr, $3  }
0x3a: {  	_ = 	snop  }
0x3b: {  	_ = 	snop  }
0x3c: {  	p2 =	seq.s32 s10, $0x1;
	s10 =	sld [smem:$0x3FB2]  }
0x3d: {  	_ =	shalt  }
0x3e: {  	_ =	shalt  }
0x3f: {  	_ =	shalt  }
0x40: {  	_ =	shalt  }
0x41: {  	_ =	shalt  }
0x42: {  	_ =	shalt  }
0x43: {  	_ =	shalt  }
0x44: {  	_ =	shalt  }
0x45: {  	_ =	shalt  }
0x46: {  	_ =	shalt  }
0x47: {  	_ =	shalt  }
0x48: {  	_ =	shalt  }
0x49: {  	_ =	shalt  }
0x4a: {  	_ =	shalt  }
0x4b: {  	_ =	shalt  }
0x4c: {  	_ =	shalt  }
0x4d: {  	_ =	shalt  }
0x4e: {  	_ =	shalt  }
0x4f: {  	_ =	shalt  }
0x50: {  	_ =	shalt  }
0x51: {  	_ =	shalt  }
0x52: {  	_ =	shalt  }
0x53: {  	_ =	shalt  }
0x54: {  	_ =	shalt  }
0x55: {  	_ =	shalt  }
0x56: {  	_ =	shalt  }
0x57: {  	_ =	shalt  }
0x58: {  	_ =	shalt  }
0x59: {  	_ =	shalt  }
0x5a: {  	_ =	shalt  }
0x5b: {  	_ =	shalt  }
0x5c: {  	_ =	shalt  }
0x5d: {  	_ =	shalt  }
0x5e: {  	_ =	shalt  }
0x5f: {  	_ =	shalt  }
0x60: {  	_ =	shalt  }
0x61: {  	_ =	shalt  }
0x62: {  	_ =	shalt  }
0x63: {  	_ =	shalt  }
0x64: {  	_ =	shalt  }
0x65: {  	_ =	shalt  }
0x66: {  	_ =	shalt  }
0x67: {  	_ =	shalt  }
0x68: {  	_ =	shalt  }
0x69: {  	_ =	shalt  }
0x6a: {  	_ =	shalt  }
0x6b: {  	_ =	shalt  }
0x6c: {  	_ =	shalt  }
0x6d: {  	_ =	shalt  }
0x6e: {  	_ =	shalt  }
0x6f: {  	_ =	shalt  }
0x70: {  	_ =	shalt  }
0x71: {  	_ =	shalt  }
0x72: {  	_ =	shalt  }
0x73: {  	_ =	shalt  }
0x74: {  	_ =	shalt  }
0x75: {  	_ =	shalt  }
0x76: {  	_ =	shalt  }
0x77: {  	_ =	shalt  }
0x78: {  	_ =	shalt  }
0x79: {  	_ =	shalt  }
0x7a: {  	_ =	shalt  }
0x7b: {  	_ =	shalt  }
0x7c: {  	_ =	shalt  }
0x7d: {  	_ =	shalt  }
0x7e: {  	_ =	shalt  }
0x7f: {  	_ =	shalt  }
0x80: {  	_ =	shalt  }
0x81: {  	_ =	shalt  }
0x82: {  	_ =	shalt  }
0x83: {  	_ =	shalt  }
0x84: {  	_ =	shalt  }
0x85: {  	_ =	shalt  }
0x86: {  	_ =	shalt  }
0x87: {  	_ =	shalt  }
.Lfunc_end0:
.L_simem_size_0:
called_computation_lowered:
.L_overlay_start_0:
0x88: {  	s2 =	sld [smem:$0x3FD9]  }
0x89: {  	s3 =	sld [smem:$0x3FFE];
	_ =	sdelay $0x1  }
0x8a: {  	s1 =	srdreg.scid  }
0x8b: {  	s0 =	sand.u32 $0x1, s1  }
0x8c: {  	s17 =	sshll.u32 s0, $0xA;
	s2 =	sadd.s32 s3, s2  }
0x8d: {  	s2 =	sadd.s32 s2, s17  }
0x8e: {  	[smem:$0x3FBE] =	sst s2  }
0x8f: {  	_ = 	snop  }
0x90: {  	s2 =	sld [smem:$0x3FC9]  }
0x91: {  	s18 =	sld [smem:$0x3FD0];
	(tm) =	ssettm $0x1  }
0x92: {  	s4 =	sld [smem:$0x3FFB];
	_ =	sdelay $0x3  }
0x93: {  	_ =	strace s4  }
0x94: {  	s4 =	sld [smem:$0x3FFC];
	_ =	sdelay $0x3  }
0x95: {  	_ =	strace s4  }
0x96: {  	s4 =	sld [smem:$0x3FFD];
	_ =	sdelay $0x3  }
0x97: {  	_ =	strace s4  }
0x98: {  	_ =	strace $0x8FFFFFFF  }
0x99: {  	s19 =	sld [smem:$0x3FDB];
	_ =	sdelay $0x1  }
0x9a: {  	s5 =	simm.s32 $_scs_section_size  }
0x9b: {  	s6 =	simm.s32 $_size__tile_overlayer_lowered;
	s7 =	simm.s32 $_tile_overlayer_lowered  }
0x9c: {  	s22 =	simm.s32 $0x1BFF;
	s21 =	sshll.u32 s7, $0x1;
	s4 =	sadd.s32 s5, s19  }
0x9d: {  	s8 =	simm.s32 $0x0;
	s20 =	sshll.u32 s6, $0x1;
	s6 =	sadd.s32 s21, s4  }
0x9e: {  	[timem:s8], [sflag:s22] =	dma.local [hbm:s6], s20  }
0x9f: {  	_ =	swait.ge [sflag:s22], s20  }
0xa0: {  	s5 =	ssub.s32 $0x0, s20;
	[sflag:s22] =	ssyncset.done $0x0  }
0xa1: {  	[sflag:s22] =	ssyncadd.s32 s5;
	_ =	sdelay $0x1  }
0xa2: {  	s23 =	simm.s32 $0x1B8B  }
0xa3: {  	_ =	swait.ge [sflag:s23], $0x1  }
0xa4: {  	[sflag:s23] =	ssyncset.done $0x0  }
0xa5: {  	s25 =	simm.s32 $0x1B8E;
	s24 =	sld [smem:$0x3FFE];
	[sflag:s23] =	ssyncadd.s32 $0xFFFFFFFF  }
0xa6: {  	s26 =	simm.s32 $execute0_lowered;
	[smem:$0x3FD2] =	sst s25  }
0xa7: {  	s6 =	sshll.u32 s26, $0x1;
	_ =	strace $0x80000046;
	[dreg:$0x1] =	wrdreg $0xFFFFFFFF  }
0xa8: {  	s28 =	simm.s32 $_size_execute0_lowered;
	s4 =	sadd.s32 s4, s6;
	[dreg:$0x0] =	wrdreg $0x0  }
0xa9: {  	s6 =	sshll.u32 s28, $0x1;
	[dreg:$0x2] =	wrdreg s4  }
0xaa: {  	[dreg:$0x3] =	wrdreg s6  }
0xab: {  	[dreg:$0x4] =	wrdreg $0xC0  }
0xac: {  	_ =	task [dreg:s8], $0x5FFFF  }
0xad: {  	[dreg:$0x1] =	wrdreg $0xFFFFFFFF  }
0xae: {  	[dreg:$0x0] =	wrdreg $0x60  }
0xaf: {  	[dreg:$0x2] =	wrdreg s2  }
0xb0: {  	[dreg:$0x3] =	wrdreg s24  }
0xb1: {  	[dreg:$0x4] =	wrdreg s18  }
0xb2: {  	[dreg:$0x5] =	wrdreg $0x9  }
0xb3: {  	_ =	task.clear_ibuf [dreg:s8], $0x6FFFF;
	_ =	strace $0x90000046  }
0xb4: {  	s29 =	simm.s32 $0x9;
	_ =	strace $0x80000048  }
0xb5: {  	_ =	swait.ge [sflag:s29], $0x1  }
0xb6: {  	[sflag:s29] =	ssyncadd.s32 $0xFFFFFFFF  }
0xb7: {  	_ =	strace $0x90000048  }
0xb8: {  	_ =	sfence  }
0xb9: {  	s30 =	sld [smem:$0x0];
	_ =	sdelay $0x2  }
0xba: {  	s31 =	sshll.u32 s1, $0xD;
	s1 =	sshrl.u32 s1, $0x2  }
0xbb: {  	s3 =	sand.u32 $0x4000, s31;
	s1 =	sadd.s32 s1, s30  }
0xbc: {  	s0 =	sor.u32 s3, s0;
	s1 =	sshll.u32 s1, $0x11  }
0xbd: {  	s0 =	sor.u32 s1, s0  }
0xbe: {  	s0 =	sadd.s32 $0x8F2B, s0  }
0xbf: {  	[sflag:s0] =	ssyncadd.remote.s32 $0x1  }
0xc0: {  	_ =	sfence.sel $0xFFFF  }
0xc1: {  	[dreg:$0x0] =	wrdreg $0xFFFFFFFF;
	(pc) =	sbr.abs _section_cstart, $3  }
0xc2: {  	[dreg:$0x1] =	wrdreg $0xFFFFFFFF  }
0xc3: {  	_ =	task.clear_ibuf [dreg:s8], $0x2FFFF;
	_ =	strace $0x9FFFFFFF  }
0xc4: {  	(tm) =	ssettm $0x7FFFFFFF  }
0xc5: {  	_ =	shalt  }
tec
execute0_lowered:
.L_overlay_start_1:
0x0: {  	(tag) =	ssettag $0x1  }
0x1: {  	s1 =	rddreg [dreg:$0x0]  }
0x2: {  	s2 =	srdreg.scid;
	s4 =	rddreg [dreg:$0x1]  }
0x3: {  	s0 =	stileid.u32;
	s6 =	rddreg [dreg:$0x2];
	s17 =	simm.s32 $0x880  }
0x4: {  	s18 =	simm.s32 $0x1080;
	s19 =	simm.s32 $0x1880;
	s21 =	simm.s32 $0x2080  }
0x5: {  	s22 =	simm.s32 $0x2880;
	s23 =	simm.s32 $0x3080;
	s24 =	simm.s32 $0x3880  }
0x6: {  	s8 =	simm.s32 $0x4080;
	s25 =	simm.s32 $0x4880;
	s2 =	sand.u32 $0x1, s2  }
0x7: {  	s26 =	simm.s32 $0x5080;
	s3 =	sshll.u32 s0, $0x7;
	s5 =	sshll.u32 s2, $0x6  }
0x8: {  	s9 =	simm.s32 $0x80;
	s5 =	sor.u32 s5, s3;
	s3 =	simm.s32 $0x0  }
0x9: {  	s11 =	simm.s32 $0x6080;
	s12 =	simm.s32 $0x6880;
	[smem:$0x7FF] =	sst s3  }
0xa: {  	s13 =	simm.s32 $0x7080;
	_ =	strace $0x80000047;
	[dreg:$0x6] =	wrdreg s17  }
0xb: {  	s14 =	simm.s32 $0x7880;
	s15 =	simm.s32 $0x8080;
	[dreg:$0x7] =	wrdreg s18  }
0xc: {  	s28 =	simm.s32 $0xE080;
	s29 =	simm.s32 $0xE880;
	[dreg:$0x8] =	wrdreg s19  }
0xd: {  	s30 =	simm.s32 $0xF080;
	s2 =	ssub.s32 $0x2, s2;
	[dreg:$0x9] =	wrdreg s21  }
0xe: {  	s31 =	simm.s32 $0xF880;
	s20 =	sshrl.u32 s2, $0x1;
	[dreg:$0xa] =	wrdreg s22  }
0xf: {  	s7 =	sshrl.u32 s5, $0x3;
	s5 =	sshll.u32 s5, $0x7;
	[dreg:$0xb] =	wrdreg s23  }
0x10: {  	s2 =	ssub.s32 s2, s20;
	s20 =	simm.s32 $0xA880;
	[dreg:$0xc] =	wrdreg s24  }
0x11: {  	s4 =	sadd.s32 s7, s4;
	s16 =	sadd.s32 s6, s5;
	[dreg:$0xd] =	wrdreg s8  }
0x12: {  	s5 =	sadd.s32 $0x200, s1;
	s6 =	sadd.s32 $0x300, s1;
	[dreg:$0xe] =	wrdreg s25  }
0x13: {  	s7 =	smax.u32 s2, $0x1;
	s8 =	simm.s32 $0x2;
	[dreg:$0xf] =	wrdreg s26  }
0x14: {  	s17 =	simm.s32 $0x9080;
	s18 =	simm.s32 $0x9880;
	s19 =	simm.s32 $0xA080  }
0x15: {  	s21 =	simm.s32 $0xB080;
	s22 =	simm.s32 $0xB880;
	s23 =	simm.s32 $0xC080  }
0x16: {  	v2 =	vlaneseq.u32;
	s24 =	simm.s32 $0xC880;
	s25 =	simm.s32 $0xD080;
	s26 =	simm.s32 $0xD880  }
0x17: {  	vm0 =	vmmov $0xffff;
	v1 =	vshrl.u32 v2, $0x3;
	s2 =	simm.s32 $0x1;
	s4 =	sadd.s32 $0x1C00, s4;
	[dreg:$0x5] =	wrdreg s16  }
0x18: {  	v0 =	vand.u32 $0x7, v2;
	v2 =	vor.u32 $0x8, v2;
	v1 =	vmul.u32 $0x8, v1;
	s16 =	simm.s32 $0x8880;
	[dreg:$0x4] =	wrdreg s4;
	s4 =	sadd.s32 $0x100, s1  }
.LBB2_1:
0x19: {  	s0 =	rddreg [dreg:$0x4]  }
0x1a: {  	[tilespmem:s3], [sflag:$0x2] =	stream.linear.gather [hbm4b:s0+s3], $0x40, $0x38;
	[tilespmem:$0x10080] =	vst v63  }
0x1b: {  	_ =	swait.ge [sflag:s8], $0x40  }
0x1c: {  	[sflag:s8] =	ssyncset.done $0x0  }
0x1d: {  	[sflag:s8] =	ssyncadd.s32 $0xFFFFFFC0  }
0x1e: {  	v3 =	vld [tilespmem:$0x0];
	_ =	sdelay $0x4  }
0x1f: {  	v4 =	vshll.u32 v3, $0x3  }
0x20: {  	v3 =	vand.u32 $0x7, v3;
	v4 =	vand.u32 $0xFFFFFFC0, v4  }
0x21: {  	v3 =	vor.u32 v3, v4  }
0x22: {  	v4 =	vperm.xlane v3, v0;
	_ =	sdelay $0x1  }
0x23: {  	v4 =	vadd.s32 v1, v4;
	_ =	sdelay $0x4  }
0x24: {  	[tilespmem:s9], [sflag:$0x1] =	stream.indirect_vreg.gather [hbm4b:s1+s3], $0x80, v4, vm0, $0xb8;
	[tilespmem:$0x10080] =	vst v63  }
0x25: {  	s0 =	rddreg [dreg:$0x6];
	v3 =	vperm.xlane v3, v2  }
0x26: {  	[tilespmem:s0], [sflag:$0x1] =	stream.indirect_vreg.gather [hbm4b:s4+s3], $0x80, v4, vm0, $0xb8;
	[tilespmem:$0x10080] =	vst v63  }
0x27: {  	s10 =	rddreg [dreg:$0x7];
	v3 =	vadd.s32 v1, v3  }
0x28: {  	[tilespmem:s10], [sflag:$0x1] =	stream.indirect_vreg.gather [hbm4b:s5+s3], $0x80, v4, vm0, $0xb8;
	[tilespmem:$0x10080] =	vst v63  }
0x29: {  	s0 =	rddreg [dreg:$0x8]  }
0x2a: {  	[tilespmem:s0], [sflag:$0x1] =	stream.indirect_vreg.gather [hbm4b:s6+s3], $0x80, v4, vm0, $0xb8;
	[tilespmem:$0x10080] =	vst v63  }
0x2b: {  	s10 =	rddreg [dreg:$0x9]  }
0x2c: {  	[tilespmem:s10], [sflag:$0x1] =	stream.indirect_vreg.gather [hbm4b:s1+s3], $0x80, v3, vm0, $0xb8;
	[tilespmem:$0x10080] =	vst v63  }
0x2d: {  	s0 =	rddreg [dreg:$0xa]  }
0x2e: {  	[tilespmem:s0], [sflag:$0x1] =	stream.indirect_vreg.gather [hbm4b:s4+s3], $0x80, v3, vm0, $0xb8;
	[tilespmem:$0x10080] =	vst v63  }
0x2f: {  	s10 =	rddreg [dreg:$0xb]  }
0x30: {  	[tilespmem:s10], [sflag:$0x1] =	stream.indirect_vreg.gather [hbm4b:s5+s3], $0x80, v3, vm0, $0xb8;
	[tilespmem:$0x10080] =	vst v63  }
0x31: {  	s0 =	rddreg [dreg:$0xc]  }
0x32: {  	[tilespmem:s0], [sflag:$0x1] =	stream.indirect_vreg.gather [hbm4b:s6+s3], $0x80, v3, vm0, $0xb8;
	[tilespmem:$0x10080] =	vst v63  }
0x33: {  	v3 =	vld [tilespmem:$0x10];
	_ =	sdelay $0x4  }
0x34: {  	v61 =	vshll.u32 v3, $0x3  }
0x35: {  	v3 =	vand.u32 $0x7, v3;
	v4 =	vand.u32 $0xFFFFFFC0, v61  }
0x36: {  	v3 =	vor.u32 v3, v4  }
0x37: {  	v4 =	vperm.xlane v3, v0;
	_ =	sdelay $0x1  }
0x38: {  	v4 =	vadd.s32 v1, v4;
	_ =	sdelay $0x3  }
0x39: {  	s0 =	rddreg [dreg:$0xd]  }
0x3a: {  	[tilespmem:s0], [sflag:$0x1] =	stream.indirect_vreg.gather [hbm4b:s1+s3], $0x80, v4, vm0, $0xb8;
	[tilespmem:$0x10080] =	vst v63  }
0x3b: {  	s10 =	rddreg [dreg:$0xe];
	v3 =	vperm.xlane v3, v2  }
0x3c: {  	[tilespmem:s10], [sflag:$0x1] =	stream.indirect_vreg.gather [hbm4b:s4+s3], $0x80, v4, vm0, $0xb8;
	[tilespmem:$0x10080] =	vst v63  }
0x3d: {  	v3 =	vadd.s32 v1, v3;
	s0 =	rddreg [dreg:$0xf]  }
0x3e: {  	[tilespmem:s0], [sflag:$0x1] =	stream.indirect_vreg.gather [hbm4b:s5+s3], $0x80, v4, vm0, $0xb8;
	[tilespmem:$0x10080] =	vst v63  }
0x3f: {  	s10 =	simm.s32 $0x5880  }
0x40: {  	[tilespmem:s10], [sflag:$0x1] =	stream.indirect_vreg.gather [hbm4b:s6+s3], $0x80, v4, vm0, $0xb8;
	[tilespmem:$0x10080] =	vst v63  }
0x41: {  	_ = 	snop  }
0x42: {  	[tilespmem:s11], [sflag:$0x1] =	stream.indirect_vreg.gather [hbm4b:s1+s3], $0x80, v3, vm0, $0xb8;
	[tilespmem:$0x10080] =	vst v63  }
0x43: {  	_ = 	snop  }
0x44: {  	[tilespmem:s12], [sflag:$0x1] =	stream.indirect_vreg.gather [hbm4b:s4+s3], $0x80, v3, vm0, $0xb8;
	[tilespmem:$0x10080] =	vst v63  }
0x45: {  	_ = 	snop  }
0x46: {  	[tilespmem:s13], [sflag:$0x1] =	stream.indirect_vreg.gather [hbm4b:s5+s3], $0x80, v3, vm0, $0xb8;
	[tilespmem:$0x10080] =	vst v63  }
0x47: {  	_ = 	snop  }
0x48: {  	[tilespmem:s14], [sflag:$0x1] =	stream.indirect_vreg.gather [hbm4b:s6+s3], $0x80, v3, vm0, $0xb8;
	[tilespmem:$0x10080] =	vst v63  }
0x49: {  	v3 =	vld [tilespmem:$0x20];
	_ =	sdelay $0x4  }
0x4a: {  	v62 =	vshll.u32 v3, $0x3  }
0x4b: {  	v3 =	vand.u32 $0x7, v3;
	v4 =	vand.u32 $0xFFFFFFC0, v62  }
0x4c: {  	v3 =	vor.u32 v3, v4  }
0x4d: {  	v4 =	vperm.xlane v3, v0;
	_ =	sdelay $0x1  }
0x4e: {  	v4 =	vadd.s32 v1, v4;
	_ =	sdelay $0x4  }
0x4f: {  	[tilespmem:s15], [sflag:$0x1] =	stream.indirect_vreg.gather [hbm4b:s1+s3], $0x80, v4, vm0, $0xb8;
	[tilespmem:$0x10080] =	vst v63  }
0x50: {  	v3 =	vperm.xlane v3, v2  }
0x51: {  	[tilespmem:s16], [sflag:$0x1] =	stream.indirect_vreg.gather [hbm4b:s4+s3], $0x80, v4, vm0, $0xb8;
	[tilespmem:$0x10080] =	vst v63  }
0x52: {  	v3 =	vadd.s32 v1, v3  }
0x53: {  	[tilespmem:s17], [sflag:$0x1] =	stream.indirect_vreg.gather [hbm4b:s5+s3], $0x80, v4, vm0, $0xb8;
	[tilespmem:$0x10080] =	vst v63  }
0x54: {  	_ = 	snop  }
0x55: {  	[tilespmem:s18], [sflag:$0x1] =	stream.indirect_vreg.gather [hbm4b:s6+s3], $0x80, v4, vm0, $0xb8;
	[tilespmem:$0x10080] =	vst v63  }
0x56: {  	_ = 	snop  }
0x57: {  	[tilespmem:s19], [sflag:$0x1] =	stream.indirect_vreg.gather [hbm4b:s1+s3], $0x80, v3, vm0, $0xb8;
	[tilespmem:$0x10080] =	vst v63  }
0x58: {  	_ = 	snop  }
0x59: {  	[tilespmem:s20], [sflag:$0x1] =	stream.indirect_vreg.gather [hbm4b:s4+s3], $0x80, v3, vm0, $0xb8;
	[tilespmem:$0x10080] =	vst v63  }
0x5a: {  	_ = 	snop  }
0x5b: {  	[tilespmem:s21], [sflag:$0x1] =	stream.indirect_vreg.gather [hbm4b:s5+s3], $0x80, v3, vm0, $0xb8;
	[tilespmem:$0x10080] =	vst v63  }
0x5c: {  	_ = 	snop  }
0x5d: {  	[tilespmem:s22], [sflag:$0x1] =	stream.indirect_vreg.gather [hbm4b:s6+s3], $0x80, v3, vm0, $0xb8;
	[tilespmem:$0x10080] =	vst v63  }
0x5e: {  	v3 =	vld [tilespmem:$0x30];
	_ =	sdelay $0x4  }
0x5f: {  	v63 =	vshll.u32 v3, $0x3  }
0x60: {  	v3 =	vand.u32 $0x7, v3;
	v4 =	vand.u32 $0xFFFFFFC0, v63  }
0x61: {  	v3 =	vor.u32 v3, v4  }
0x62: {  	v4 =	vperm.xlane v3, v0;
	_ =	sdelay $0x1  }
0x63: {  	v4 =	vadd.s32 v1, v4;
	_ =	sdelay $0x4  }
0x64: {  	[tilespmem:s23], [sflag:$0x1] =	stream.indirect_vreg.gather [hbm4b:s1+s3], $0x80, v4, vm0, $0xb8;
	[tilespmem:$0x10080] =	vst v63  }
0x65: {  	v3 =	vperm.xlane v3, v2  }
0x66: {  	[tilespmem:s24], [sflag:$0x1] =	stream.indirect_vreg.gather [hbm4b:s4+s3], $0x80, v4, vm0, $0xb8;
	[tilespmem:$0x10080] =	vst v63  }
0x67: {  	v3 =	vadd.s32 v1, v3  }
0x68: {  	[tilespmem:s25], [sflag:$0x1] =	stream.indirect_vreg.gather [hbm4b:s5+s3], $0x80, v4, vm0, $0xb8;
	[tilespmem:$0x10080] =	vst v63  }
0x69: {  	_ = 	snop  }
0x6a: {  	[tilespmem:s26], [sflag:$0x1] =	stream.indirect_vreg.gather [hbm4b:s6+s3], $0x80, v4, vm0, $0xb8;
	[tilespmem:$0x10080] =	vst v63  }
0x6b: {  	_ = 	snop  }
0x6c: {  	[tilespmem:s28], [sflag:$0x1] =	stream.indirect_vreg.gather [hbm4b:s1+s3], $0x80, v3, vm0, $0xb8;
	[tilespmem:$0x10080] =	vst v63  }
0x6d: {  	_ = 	snop  }
0x6e: {  	[tilespmem:s29], [sflag:$0x1] =	stream.indirect_vreg.gather [hbm4b:s4+s3], $0x80, v3, vm0, $0xb8;
	[tilespmem:$0x10080] =	vst v63  }
0x6f: {  	_ = 	snop  }
0x70: {  	[tilespmem:s30], [sflag:$0x1] =	stream.indirect_vreg.gather [hbm4b:s5+s3], $0x80, v3, vm0, $0xb8;
	[tilespmem:$0x10080] =	vst v63  }
0x71: {  	_ = 	snop  }
0x72: {  	[tilespmem:s31], [sflag:$0x1] =	stream.indirect_vreg.gather [hbm4b:s6+s3], $0x80, v3, vm0, $0xb8;
	[tilespmem:$0x10080] =	vst v63  }
0x73: {  	_ =	swait.ge [sflag:s2], $0x10000  }
0x74: {  	p0 =	sne.s32 s7, $0x1;
	[sflag:s2] =	ssyncset.done $0x0  }
.Ltmp0:
0x75: {  	s10 =	rddreg [dreg:$0x5];
	[sflag:s2] =	ssyncadd.s32 $0xFFFF0000;
	(pc) =	sbr.rel @p0 .LBB2_1-.Ltmp0, $4  }
0x76: {  	[hbm4b:s10+s3] =	stream.linear.scatter [tilespmem:s9], [sflag:$0x2], $0x10000, $0x38;
	[tilespmem:$0x10080] =	vst v63  }
0x77: {  	_ =	swait.ge [sflag:s8], $0x10000  }
0x78: {  	[sflag:s8] =	ssyncset.done $0x0  }
0x79: {  	s7 =	sadd.s32 $0xFFFFFFFF, s7;
	[sflag:s8] =	ssyncadd.s32 $0xFFFF0000  }
0x7a: {  	_ =	sfence.sel $0x180000  }
0x7b: {  	[bflag:$0x0] =	sbarrier.arrive $0xFFFF  }
0x7c: {  	_ =	strace $0x90000047  }
0x7d: {  	s0 =	stileid.u32;
	[bflag:$0x2] =	sbarrier.arrive $0xFFFF  }
0x7e: {  	p0 =	sne.s32 s0, $0x0;
	s0 =	rddreg [dreg:$0x3]  }
0x7f: {  	s0 =	sadd.s32 @!p0 $0x100000, s0  }
0x80: {  	[sflag:s0] =	ssyncadd.tile.s32 @!p0 $0x1;
	_ =	shalt  }
.Lfunc_end2:
_tile_overlayer_lowered:
.L_overlay_start_2:
0x81: {  	(tag) =	ssettag $0x2  }
0x82: {  	s0 =	rddreg [dreg:$0x0];
	s2 =	stileid.u32  }
0x83: {  	s1 =	rddreg [dreg:$0x1];
	p0 =	sne.s32 s2, $0x0  }
0x84: {  	s3 =	rddreg [dreg:$0x2];
	[bflag:$0x3] =	sbarrier.arrive $0xFFFF;
	s2 =	simm.s32 @!p0 $0x1C02  }
0x85: {  	[timem:s3], [sflag:s2] =	dma.local @!p0 [hbm:s0], s1  }
0x86: {  	s0 =	simm.s32 @!p0 $0x2  }
0x87: {  	_ =	swait.ge @!p0 [sflag:s0], s1  }
0x88: {  	s1 =	ssub.s32 @!p0 $0x0, s1;
	[sflag:s0] =	ssyncset.done @!p0 $0x0  }
0x89: {  	[sflag:s0] =	ssyncadd.s32 @!p0 s1  }
0x8a: {  	[bflag:$0x3] =	sbarrier.arrive $0xFFFF  }
0x8b: {  	_ =	shalt  }

// kernel: kernel.8.cloned.1.call-start
scs
__scs_entry_jumppad:
0x0: {  	(pc) =	sbr.rel $0x88, $3  }
0x1: {  	(tag) =	ssettag $0x0;
	lr =	simm.s32 $0x1  }
0x2: {  	[smem:$0x3F97] =	sst lr;
	_ =	strace $0xD0000000  }
0x3: {  	_ = 	snop  }
0x4: {  	_ = 	snop  }
0x5: {  	_ = 	snop  }
0x6: {  	_ = 	snop  }
0x7: {  	_ = 	snop  }
__scs_overlays_trampoline_lowered:
0x8: {  	[smem:$0x3FA6] =	sst s0  }
0x9: {  	[smem:$0x3FA7] =	sst s1  }
0xa: {  	[smem:$0x3FA8] =	sst s2  }
0xb: {  	[smem:$0x3FA9] =	sst s3  }
0xc: {  	[smem:$0x3FAA] =	sst s4  }
0xd: {  	[smem:$0x3FAB] =	sst s5  }
0xe: {  	[smem:$0x3FAC] =	sst s6  }
0xf: {  	[smem:$0x3FAD] =	sst s7  }
0x10: {  	[smem:$0x3FAE] =	sst s8  }
0x11: {  	[smem:$0x3FAF] =	sst s9;
	s0 =	simm.s32 @!p0 $0x0  }
0x12: {  	s1 =	sld [smem:$0x3F95];
	s0 =	simm.s32 @p0 $0x1  }
0x13: {  	[smem:$0x3FB0] =	sst s0;
	s0 =	simm.s32 @!p1 $0x0  }
0x14: {  	s2 =	sld [smem:$0x3F94];
	s0 =	simm.s32 @p1 $0x1  }
0x15: {  	[smem:$0x3FB1] =	sst s0;
	s0 =	simm.s32 @!p2 $0x0  }
0x16: {  	s3 =	sld [smem:$0x3FDB];
	s0 =	simm.s32 @p2 $0x1  }
0x17: {  	s4 =	simm.s32 $0x1BF5;
	[smem:$0x3FB3] =	sst s0  }
0x18: {  	s0 =	sld [smem:$0x3F96];
	_ =	swait.ge [sflag:s4], $0x0  }
0x19: {  	s7 =	sld [smem:$0x3F97]  }
0x1a: {  	s8 =	sadd.s32 $0xFFFFE003, lr  }
0x1b: {  	s9 =	sadd.s32 $0xFFFFFEF7, lr;
	s5 =	simm.s32 $0xFFFFFFFF;
	p2 =	slt.u32 s8, $0xFFFFF086  }
0x1c: {  	p1 =	slt.u32 s9, $0xF7A;
	s5 =	simm.s32 @!p2 $0x0  }
0x1d: {  	s5 =	simm.s32 @p1 $0x1;
	p0 =	seq.s32 s7, s2  }
0x1e: {  	s7 =	smul.u32 @!p0 $0xF7A, s2;
	p2 =	seq.s32 @!p0 s5, $0x0  }
0x1f: {  	s9 =	smul.u32 $0xF7A, s1;
	s8 =	simm.s32 @!p0 $0x1BF5;
	p2 =	por !p2, p0  }
0x20: {  	[sflag:s8] =	ssyncset.s32 @!p0 $0xFFFFF086;
	s6 =	sadd.s32 @!p0 s3, s7;
	s7 =	simm.s32 @!p0 $0x108  }
0x21: {  	s3 =	sadd.s32 s3, s9;
	s6 =	sadd.s32 @!p0 $0x88, s6;
	s7 =	simm.s32 @p2 $0x1082  }
0x22: {  	[simem:s7], [sflag:s8] =	dma.local @!p0 [hbm:s6], $0xF7A  }
0x23: {  	s9 =	sor.u32 $0xD0000000, s2;
	s6 =	simm.s32 $0x108;
	_ =	swait.ge @!p0 [sflag:s8], $0x0  }
0x24: {  	s3 =	sadd.s32 $0x88, s3;
	s6 =	simm.s32 @!p1 $0x1082;
	[sflag:s4] =	ssyncset.s32 $0xFFFFF086  }
0x25: {  	[simem:s6], [sflag:s4] =	dma.local [hbm:s3], $0xF7A  }
0x26: {  	[smem:$0x3F97] =	sst s1;
	(tag) =	ssettag s2;
	_ =	strace s9  }
0x27: {  	s1 =	sld [smem:$0x3FA7]  }
0x28: {  	s2 =	sld [smem:$0x3FA8]  }
0x29: {  	s4 =	sld [smem:$0x3FAA]  }
0x2a: {  	p0 =	seq.s32 s5, $0x0;
	s5 =	sld [smem:$0x3FAB]  }
0x2b: {  	s6 =	sld [smem:$0x3FAC]  }
0x2c: {  	s7 =	sld [smem:$0x3FAD]  }
0x2d: {  	s3 =	simm.s32 $0x108;
	s8 =	sld [smem:$0x3FAE]  }
0x2e: {  	s3 =	simm.s32 @!p0 $0x1082;
	s9 =	sld [smem:$0x3FAF]  }
0x2f: {  	lr =	sadd.s32 s0, s3;
	s0 =	sld [smem:$0x3FA6]  }
0x30: {  	s3 =	sld [smem:$0x3FA9]  }
0x31: {  	[smem:$0x3FB2] =	sst s10  }
0x32: {  	s10 =	sld [smem:$0x3FB0];
	_ =	sdelay $0x3  }
0x33: {  	p0 =	seq.s32 s10, $0x1;
	s10 =	sld [smem:$0x3FB2];
	_ =	sdelay $0x3  }
0x34: {  	[smem:$0x3FB2] =	sst s10  }
0x35: {  	s10 =	sld [smem:$0x3FB1];
	_ =	sdelay $0x3  }
0x36: {  	p1 =	seq.s32 s10, $0x1;
	s10 =	sld [smem:$0x3FB2];
	_ =	sdelay $0x3  }
0x37: {  	[smem:$0x3FB2] =	sst s10  }
0x38: {  	s10 =	sld [smem:$0x3FB3]  }
0x39: {  	_ = 	snop;
	(pc) =	sbr.ind lr, $3  }
0x3a: {  	_ = 	snop  }
0x3b: {  	_ = 	snop  }
0x3c: {  	p2 =	seq.s32 s10, $0x1;
	s10 =	sld [smem:$0x3FB2]  }
0x3d: {  	_ =	shalt  }
0x3e: {  	_ =	shalt  }
0x3f: {  	_ =	shalt  }
0x40: {  	_ =	shalt  }
0x41: {  	_ =	shalt  }
0x42: {  	_ =	shalt  }
0x43: {  	_ =	shalt  }
0x44: {  	_ =	shalt  }
0x45: {  	_ =	shalt  }
0x46: {  	_ =	shalt  }
0x47: {  	_ =	shalt  }
0x48: {  	_ =	shalt  }
0x49: {  	_ =	shalt  }
0x4a: {  	_ =	shalt  }
0x4b: {  	_ =	shalt  }
0x4c: {  	_ =	shalt  }
0x4d: {  	_ =	shalt  }
0x4e: {  	_ =	shalt  }
0x4f: {  	_ =	shalt  }
0x50: {  	_ =	shalt  }
0x51: {  	_ =	shalt  }
0x52: {  	_ =	shalt  }
0x53: {  	_ =	shalt  }
0x54: {  	_ =	shalt  }
0x55: {  	_ =	shalt  }
0x56: {  	_ =	shalt  }
0x57: {  	_ =	shalt  }
0x58: {  	_ =	shalt  }
0x59: {  	_ =	shalt  }
0x5a: {  	_ =	shalt  }
0x5b: {  	_ =	shalt  }
0x5c: {  	_ =	shalt  }
0x5d: {  	_ =	shalt  }
0x5e: {  	_ =	shalt  }
0x5f: {  	_ =	shalt  }
0x60: {  	_ =	shalt  }
0x61: {  	_ =	shalt  }
0x62: {  	_ =	shalt  }
0x63: {  	_ =	shalt  }
0x64: {  	_ =	shalt  }
0x65: {  	_ =	shalt  }
0x66: {  	_ =	shalt  }
0x67: {  	_ =	shalt  }
0x68: {  	_ =	shalt  }
0x69: {  	_ =	shalt  }
0x6a: {  	_ =	shalt  }
0x6b: {  	_ =	shalt  }
0x6c: {  	_ =	shalt  }
0x6d: {  	_ =	shalt  }
0x6e: {  	_ =	shalt  }
0x6f: {  	_ =	shalt  }
0x70: {  	_ =	shalt  }
0x71: {  	_ =	shalt  }
0x72: {  	_ =	shalt  }
0x73: {  	_ =	shalt  }
0x74: {  	_ =	shalt  }
0x75: {  	_ =	shalt  }
0x76: {  	_ =	shalt  }
0x77: {  	_ =	shalt  }
0x78: {  	_ =	shalt  }
0x79: {  	_ =	shalt  }
0x7a: {  	_ =	shalt  }
0x7b: {  	_ =	shalt  }
0x7c: {  	_ =	shalt  }
0x7d: {  	_ =	shalt  }
0x7e: {  	_ =	shalt  }
0x7f: {  	_ =	shalt  }
0x80: {  	_ =	shalt  }
0x81: {  	_ =	shalt  }
0x82: {  	_ =	shalt  }
0x83: {  	_ =	shalt  }
0x84: {  	_ =	shalt  }
0x85: {  	_ =	shalt  }
0x86: {  	_ =	shalt  }
0x87: {  	_ =	shalt  }
.Lfunc_end0:
.L_simem_size_0:
called_computation.1_lowered:
.L_overlay_start_0:
0x88: {  	s2 =	sld [smem:$0x3FD9]  }
0x89: {  	s3 =	sld [smem:$0x3FFE];
	_ =	sdelay $0x1  }
0x8a: {  	s1 =	srdreg.scid  }
0x8b: {  	s0 =	sand.u32 $0x1, s1  }
0x8c: {  	s17 =	sshll.u32 s0, $0xA;
	s2 =	sadd.s32 s3, s2  }
0x8d: {  	s2 =	sadd.s32 s2, s17  }
0x8e: {  	[smem:$0x3FBE] =	sst s2  }
0x8f: {  	_ = 	snop  }
0x90: {  	s2 =	sld [smem:$0x3FD0];
	(tm) =	ssettm $0x1  }
0x91: {  	s18 =	sld [smem:$0x3FFB];
	_ =	sdelay $0x3  }
0x92: {  	_ =	strace s18  }
0x93: {  	s3 =	sld [smem:$0x3FFC];
	_ =	sdelay $0x3  }
0x94: {  	_ =	strace s3  }
0x95: {  	s3 =	sld [smem:$0x3FFD];
	_ =	sdelay $0x3  }
0x96: {  	_ =	strace s3  }
0x97: {  	_ =	strace $0x8FFFFFFF  }
0x98: {  	s19 =	sld [smem:$0x3FDB];
	_ =	sdelay $0x1  }
0x99: {  	s4 =	simm.s32 $_scs_section_size  }
0x9a: {  	s5 =	simm.s32 $_size__tile_overlayer_lowered;
	s6 =	simm.s32 $_tile_overlayer_lowered  }
0x9b: {  	s22 =	simm.s32 $0x1BFF;
	s21 =	sshll.u32 s6, $0x1;
	s3 =	sadd.s32 s4, s19  }
0x9c: {  	s7 =	simm.s32 $0x0;
	s20 =	sshll.u32 s5, $0x1;
	s5 =	sadd.s32 s21, s3  }
0x9d: {  	[timem:s7], [sflag:s22] =	dma.local [hbm:s5], s20  }
0x9e: {  	_ =	swait.ge [sflag:s22], s20  }
0x9f: {  	s4 =	ssub.s32 $0x0, s20;
	[sflag:s22] =	ssyncset.done $0x0  }
0xa0: {  	[sflag:s22] =	ssyncadd.s32 s4;
	_ =	sdelay $0x1  }
0xa1: {  	s23 =	simm.s32 $0x1B8B  }
0xa2: {  	_ =	swait.ge [sflag:s23], $0x1  }
0xa3: {  	[sflag:s23] =	ssyncset.done $0x0  }
0xa4: {  	s25 =	simm.s32 $0x1B8E;
	s24 =	sld [smem:$0x3FFE];
	[sflag:s23] =	ssyncadd.s32 $0xFFFFFFFF  }
0xa5: {  	s26 =	simm.s32 $execute0_lowered;
	[smem:$0x3FD2] =	sst s25  }
0xa6: {  	s5 =	sshll.u32 s26, $0x1;
	_ =	strace $0x80000049;
	[dreg:$0x1] =	wrdreg $0xFFFFFFFF  }
0xa7: {  	s28 =	simm.s32 $_size_execute0_lowered;
	s3 =	sadd.s32 s3, s5;
	[dreg:$0x0] =	wrdreg $0x0  }
0xa8: {  	s5 =	sshll.u32 s28, $0x1;
	[dreg:$0x2] =	wrdreg s3  }
0xa9: {  	[dreg:$0x3] =	wrdreg s5  }
0xaa: {  	[dreg:$0x4] =	wrdreg $0xC0  }
0xab: {  	_ =	task [dreg:s7], $0x5FFFF  }
0xac: {  	[dreg:$0x1] =	wrdreg $0xFFFFFFFF  }
0xad: {  	[dreg:$0x0] =	wrdreg $0x60  }
0xae: {  	[dreg:$0x2] =	wrdreg s24  }
0xaf: {  	[dreg:$0x3] =	wrdreg s2  }
0xb0: {  	[dreg:$0x4] =	wrdreg $0x9  }
0xb1: {  	_ =	task.clear_ibuf [dreg:s7], $0x5FFFF;
	_ =	strace $0x90000049  }
0xb2: {  	s29 =	simm.s32 $0x9;
	_ =	strace $0x8000004B  }
0xb3: {  	_ =	swait.ge [sflag:s29], $0x1  }
0xb4: {  	[sflag:s29] =	ssyncadd.s32 $0xFFFFFFFF  }
0xb5: {  	_ =	strace $0x9000004B  }
0xb6: {  	_ =	sfence  }
0xb7: {  	s30 =	sld [smem:$0x0];
	_ =	sdelay $0x2  }
0xb8: {  	s31 =	sshll.u32 s1, $0xD;
	s1 =	sshrl.u32 s1, $0x2  }
0xb9: {  	s3 =	sand.u32 $0x4000, s31;
	s1 =	sadd.s32 s1, s30  }
0xba: {  	s0 =	sor.u32 s3, s0;
	s1 =	sshll.u32 s1, $0x11  }
0xbb: {  	s0 =	sor.u32 s1, s0  }
0xbc: {  	s0 =	sadd.s32 $0x8F2B, s0  }
0xbd: {  	[sflag:s0] =	ssyncadd.remote.s32 $0x1  }
0xbe: {  	_ =	sfence.sel $0xFFFF  }
0xbf: {  	[dreg:$0x0] =	wrdreg $0xFFFFFFFF;
	(pc) =	sbr.abs _section_cstart, $3  }
0xc0: {  	[dreg:$0x1] =	wrdreg $0xFFFFFFFF  }
0xc1: {  	_ =	task.clear_ibuf [dreg:s7], $0x2FFFF;
	_ =	strace $0x9FFFFFFF  }
0xc2: {  	(tm) =	ssettm $0x7FFFFFFF  }
0xc3: {  	_ =	shalt  }
tec
execute0_lowered:
.L_overlay_start_1:
0x0: {  	(tag) =	ssettag $0x1  }
0x1: {  	s1 =	srdreg.scid  }
0x2: {  	s0 =	stileid.u32;
	s6 =	rddreg [dreg:$0x0]  }
0x3: {  	s4 =	rddreg [dreg:$0x1];
	s18 =	simm.s32 $0x880;
	s19 =	simm.s32 $0x1080  }
0x4: {  	s20 =	simm.s32 $0x1880;
	s22 =	simm.s32 $0x2080;
	s23 =	simm.s32 $0x2880  }
0x5: {  	s7 =	simm.s32 $0x3080;
	s24 =	simm.s32 $0x3880;
	s8 =	simm.s32 $0x4080  }
0x6: {  	s25 =	simm.s32 $0x4880;
	s26 =	simm.s32 $0x5080;
	s1 =	sand.u32 $0x1, s1  }
0x7: {  	s9 =	simm.s32 $0x80;
	s2 =	sshll.u32 s0, $0x7;
	s3 =	sshll.u32 s1, $0x6  }
0x8: {  	s11 =	simm.s32 $0x6080;
	s3 =	sor.u32 s3, s2;
	s2 =	simm.s32 $0x0  }
0x9: {  	s12 =	simm.s32 $0x6880;
	s13 =	simm.s32 $0x7080;
	[smem:$0x7FF] =	sst s2  }
0xa: {  	s14 =	simm.s32 $0x7880;
	_ =	strace $0x8000004A;
	[dreg:$0x5] =	wrdreg s18  }
0xb: {  	s15 =	simm.s32 $0x8080;
	s16 =	simm.s32 $0x8880;
	[dreg:$0x6] =	wrdreg s19  }
0xc: {  	s17 =	simm.s32 $0x9080;
	s28 =	simm.s32 $0xE080;
	[dreg:$0x7] =	wrdreg s20  }
0xd: {  	s29 =	simm.s32 $0xE880;
	s30 =	simm.s32 $0xF080;
	[dreg:$0x8] =	wrdreg s22  }
0xe: {  	s31 =	simm.s32 $0xF880;
	s1 =	ssub.s32 $0x2, s1;
	[dreg:$0x9] =	wrdreg s23  }
0xf: {  	s21 =	sshrl.u32 s1, $0x1;
	s5 =	sshrl.u32 s3, $0x3;
	[dreg:$0xa] =	wrdreg s7  }
0x10: {  	s3 =	sshll.u32 s3, $0x7;
	s1 =	ssub.s32 s1, s21;
	[dreg:$0xb] =	wrdreg s24  }
0x11: {  	s21 =	simm.s32 $0xB080;
	s5 =	sadd.s32 s5, s6;
	[dreg:$0xc] =	wrdreg s8  }
0x12: {  	s3 =	sadd.s32 s4, s3;
	s4 =	sadd.s32 $0x2100, s6;
	[dreg:$0xd] =	wrdreg s25  }
0x13: {  	s7 =	smax.u32 s1, $0x1;
	s8 =	simm.s32 $0x2;
	[dreg:$0xe] =	wrdreg s26  }
0x14: {  	s18 =	simm.s32 $0x9880;
	s19 =	simm.s32 $0xA080;
	s20 =	simm.s32 $0xA880  }
0x15: {  	s22 =	simm.s32 $0xB880;
	s23 =	simm.s32 $0xC080;
	s24 =	simm.s32 $0xC880  }
0x16: {  	v2 =	vlaneseq.u32;
	s25 =	simm.s32 $0xD080;
	s26 =	simm.s32 $0xD880;
	s1 =	simm.s32 $0x1  }
0x17: {  	vm0 =	vmmov $0xffff;
	v1 =	vshrl.u32 v2, $0x3;
	s5 =	sadd.s32 $0x1C00, s5;
	[dreg:$0x4] =	wrdreg s3;
	s3 =	sadd.s32 $0x2000, s6  }
0x18: {  	v0 =	vand.u32 $0x7, v2;
	v2 =	vor.u32 $0x8, v2;
	v1 =	vmul.u32 $0x8, v1;
	[dreg:$0x3] =	wrdreg s5;
	s5 =	sadd.s32 $0x2200, s6;
	s6 =	sadd.s32 $0x2300, s6  }
.LBB2_1:
0x19: {  	s0 =	rddreg [dreg:$0x3]  }
0x1a: {  	[tilespmem:s2], [sflag:$0x2] =	stream.linear.gather [hbm4b:s0+s2], $0x40, $0x38;
	[tilespmem:$0x10080] =	vst v63  }
0x1b: {  	_ =	swait.ge [sflag:s8], $0x40  }
0x1c: {  	[sflag:s8] =	ssyncset.done $0x0  }
0x1d: {  	[sflag:s8] =	ssyncadd.s32 $0xFFFFFFC0  }
0x1e: {  	v3 =	vld [tilespmem:$0x0];
	_ =	sdelay $0x4  }
0x1f: {  	v4 =	vshll.u32 v3, $0x3  }
0x20: {  	v3 =	vand.u32 $0x7, v3;
	v4 =	vand.u32 $0xFFFFFFC0, v4  }
0x21: {  	v3 =	vor.u32 v3, v4  }
0x22: {  	v4 =	vperm.xlane v3, v0;
	_ =	sdelay $0x1  }
0x23: {  	v4 =	vadd.s32 v1, v4;
	_ =	sdelay $0x4  }
0x24: {  	[tilespmem:s9], [sflag:$0x1] =	stream.indirect_vreg.gather [hbm4b:s3+s2], $0x80, v4, vm0, $0xb8;
	[tilespmem:$0x10080] =	vst v63  }
0x25: {  	s0 =	rddreg [dreg:$0x5];
	v3 =	vperm.xlane v3, v2  }
0x26: {  	[tilespmem:s0], [sflag:$0x1] =	stream.indirect_vreg.gather [hbm4b:s4+s2], $0x80, v4, vm0, $0xb8;
	[tilespmem:$0x10080] =	vst v63  }
0x27: {  	s10 =	rddreg [dreg:$0x6];
	v3 =	vadd.s32 v1, v3  }
0x28: {  	[tilespmem:s10], [sflag:$0x1] =	stream.indirect_vreg.gather [hbm4b:s5+s2], $0x80, v4, vm0, $0xb8;
	[tilespmem:$0x10080] =	vst v63  }
0x29: {  	s0 =	rddreg [dreg:$0x7]  }
0x2a: {  	[tilespmem:s0], [sflag:$0x1] =	stream.indirect_vreg.gather [hbm4b:s6+s2], $0x80, v4, vm0, $0xb8;
	[tilespmem:$0x10080] =	vst v63  }
0x2b: {  	s10 =	rddreg [dreg:$0x8]  }
0x2c: {  	[tilespmem:s10], [sflag:$0x1] =	stream.indirect_vreg.gather [hbm4b:s3+s2], $0x80, v3, vm0, $0xb8;
	[tilespmem:$0x10080] =	vst v63  }
0x2d: {  	s0 =	rddreg [dreg:$0x9]  }
0x2e: {  	[tilespmem:s0], [sflag:$0x1] =	stream.indirect_vreg.gather [hbm4b:s4+s2], $0x80, v3, vm0, $0xb8;
	[tilespmem:$0x10080] =	vst v63  }
0x2f: {  	s10 =	rddreg [dreg:$0xa]  }
0x30: {  	[tilespmem:s10], [sflag:$0x1] =	stream.indirect_vreg.gather [hbm4b:s5+s2], $0x80, v3, vm0, $0xb8;
	[tilespmem:$0x10080] =	vst v63  }
0x31: {  	s0 =	rddreg [dreg:$0xb]  }
0x32: {  	[tilespmem:s0], [sflag:$0x1] =	stream.indirect_vreg.gather [hbm4b:s6+s2], $0x80, v3, vm0, $0xb8;
	[tilespmem:$0x10080] =	vst v63  }
0x33: {  	v3 =	vld [tilespmem:$0x10];
	_ =	sdelay $0x4  }
0x34: {  	v61 =	vshll.u32 v3, $0x3  }
0x35: {  	v3 =	vand.u32 $0x7, v3;
	v4 =	vand.u32 $0xFFFFFFC0, v61  }
0x36: {  	v3 =	vor.u32 v3, v4  }
0x37: {  	v4 =	vperm.xlane v3, v0;
	_ =	sdelay $0x1  }
0x38: {  	v4 =	vadd.s32 v1, v4;
	_ =	sdelay $0x3  }
0x39: {  	s0 =	rddreg [dreg:$0xc]  }
0x3a: {  	[tilespmem:s0], [sflag:$0x1] =	stream.indirect_vreg.gather [hbm4b:s3+s2], $0x80, v4, vm0, $0xb8;
	[tilespmem:$0x10080] =	vst v63  }
0x3b: {  	s10 =	rddreg [dreg:$0xd];
	v3 =	vperm.xlane v3, v2  }
0x3c: {  	[tilespmem:s10], [sflag:$0x1] =	stream.indirect_vreg.gather [hbm4b:s4+s2], $0x80, v4, vm0, $0xb8;
	[tilespmem:$0x10080] =	vst v63  }
0x3d: {  	v3 =	vadd.s32 v1, v3;
	s0 =	rddreg [dreg:$0xe]  }
0x3e: {  	[tilespmem:s0], [sflag:$0x1] =	stream.indirect_vreg.gather [hbm4b:s5+s2], $0x80, v4, vm0, $0xb8;
	[tilespmem:$0x10080] =	vst v63  }
0x3f: {  	s10 =	simm.s32 $0x5880  }
0x40: {  	[tilespmem:s10], [sflag:$0x1] =	stream.indirect_vreg.gather [hbm4b:s6+s2], $0x80, v4, vm0, $0xb8;
	[tilespmem:$0x10080] =	vst v63  }
0x41: {  	_ = 	snop  }
0x42: {  	[tilespmem:s11], [sflag:$0x1] =	stream.indirect_vreg.gather [hbm4b:s3+s2], $0x80, v3, vm0, $0xb8;
	[tilespmem:$0x10080] =	vst v63  }
0x43: {  	_ = 	snop  }
0x44: {  	[tilespmem:s12], [sflag:$0x1] =	stream.indirect_vreg.gather [hbm4b:s4+s2], $0x80, v3, vm0, $0xb8;
	[tilespmem:$0x10080] =	vst v63  }
0x45: {  	_ = 	snop  }
0x46: {  	[tilespmem:s13], [sflag:$0x1] =	stream.indirect_vreg.gather [hbm4b:s5+s2], $0x80, v3, vm0, $0xb8;
	[tilespmem:$0x10080] =	vst v63  }
0x47: {  	_ = 	snop  }
0x48: {  	[tilespmem:s14], [sflag:$0x1] =	stream.indirect_vreg.gather [hbm4b:s6+s2], $0x80, v3, vm0, $0xb8;
	[tilespmem:$0x10080] =	vst v63  }
0x49: {  	v3 =	vld [tilespmem:$0x20];
	_ =	sdelay $0x4  }
0x4a: {  	v62 =	vshll.u32 v3, $0x3  }
0x4b: {  	v3 =	vand.u32 $0x7, v3;
	v4 =	vand.u32 $0xFFFFFFC0, v62  }
0x4c: {  	v3 =	vor.u32 v3, v4  }
0x4d: {  	v4 =	vperm.xlane v3, v0;
	_ =	sdelay $0x1  }
0x4e: {  	v4 =	vadd.s32 v1, v4;
	_ =	sdelay $0x4  }
0x4f: {  	[tilespmem:s15], [sflag:$0x1] =	stream.indirect_vreg.gather [hbm4b:s3+s2], $0x80, v4, vm0, $0xb8;
	[tilespmem:$0x10080] =	vst v63  }
0x50: {  	v3 =	vperm.xlane v3, v2  }
0x51: {  	[tilespmem:s16], [sflag:$0x1] =	stream.indirect_vreg.gather [hbm4b:s4+s2], $0x80, v4, vm0, $0xb8;
	[tilespmem:$0x10080] =	vst v63  }
0x52: {  	v3 =	vadd.s32 v1, v3  }
0x53: {  	[tilespmem:s17], [sflag:$0x1] =	stream.indirect_vreg.gather [hbm4b:s5+s2], $0x80, v4, vm0, $0xb8;
	[tilespmem:$0x10080] =	vst v63  }
0x54: {  	_ = 	snop  }
0x55: {  	[tilespmem:s18], [sflag:$0x1] =	stream.indirect_vreg.gather [hbm4b:s6+s2], $0x80, v4, vm0, $0xb8;
	[tilespmem:$0x10080] =	vst v63  }
0x56: {  	_ = 	snop  }
0x57: {  	[tilespmem:s19], [sflag:$0x1] =	stream.indirect_vreg.gather [hbm4b:s3+s2], $0x80, v3, vm0, $0xb8;
	[tilespmem:$0x10080] =	vst v63  }
0x58: {  	_ = 	snop  }
0x59: {  	[tilespmem:s20], [sflag:$0x1] =	stream.indirect_vreg.gather [hbm4b:s4+s2], $0x80, v3, vm0, $0xb8;
	[tilespmem:$0x10080] =	vst v63  }
0x5a: {  	_ = 	snop  }
0x5b: {  	[tilespmem:s21], [sflag:$0x1] =	stream.indirect_vreg.gather [hbm4b:s5+s2], $0x80, v3, vm0, $0xb8;
	[tilespmem:$0x10080] =	vst v63  }
0x5c: {  	_ = 	snop  }
0x5d: {  	[tilespmem:s22], [sflag:$0x1] =	stream.indirect_vreg.gather [hbm4b:s6+s2], $0x80, v3, vm0, $0xb8;
	[tilespmem:$0x10080] =	vst v63  }
0x5e: {  	v3 =	vld [tilespmem:$0x30];
	_ =	sdelay $0x4  }
0x5f: {  	v63 =	vshll.u32 v3, $0x3  }
0x60: {  	v3 =	vand.u32 $0x7, v3;
	v4 =	vand.u32 $0xFFFFFFC0, v63  }
0x61: {  	v3 =	vor.u32 v3, v4  }
0x62: {  	v4 =	vperm.xlane v3, v0;
	_ =	sdelay $0x1  }
0x63: {  	v4 =	vadd.s32 v1, v4;
	_ =	sdelay $0x4  }
0x64: {  	[tilespmem:s23], [sflag:$0x1] =	stream.indirect_vreg.gather [hbm4b:s3+s2], $0x80, v4, vm0, $0xb8;
	[tilespmem:$0x10080] =	vst v63  }
0x65: {  	v3 =	vperm.xlane v3, v2  }
0x66: {  	[tilespmem:s24], [sflag:$0x1] =	stream.indirect_vreg.gather [hbm4b:s4+s2], $0x80, v4, vm0, $0xb8;
	[tilespmem:$0x10080] =	vst v63  }
0x67: {  	v3 =	vadd.s32 v1, v3  }
0x68: {  	[tilespmem:s25], [sflag:$0x1] =	stream.indirect_vreg.gather [hbm4b:s5+s2], $0x80, v4, vm0, $0xb8;
	[tilespmem:$0x10080] =	vst v63  }
0x69: {  	_ = 	snop  }
0x6a: {  	[tilespmem:s26], [sflag:$0x1] =	stream.indirect_vreg.gather [hbm4b:s6+s2], $0x80, v4, vm0, $0xb8;
	[tilespmem:$0x10080] =	vst v63  }
0x6b: {  	_ = 	snop  }
0x6c: {  	[tilespmem:s28], [sflag:$0x1] =	stream.indirect_vreg.gather [hbm4b:s3+s2], $0x80, v3, vm0, $0xb8;
	[tilespmem:$0x10080] =	vst v63  }
0x6d: {  	_ = 	snop  }
0x6e: {  	[tilespmem:s29], [sflag:$0x1] =	stream.indirect_vreg.gather [hbm4b:s4+s2], $0x80, v3, vm0, $0xb8;
	[tilespmem:$0x10080] =	vst v63  }
0x6f: {  	_ = 	snop  }
0x70: {  	[tilespmem:s30], [sflag:$0x1] =	stream.indirect_vreg.gather [hbm4b:s5+s2], $0x80, v3, vm0, $0xb8;
	[tilespmem:$0x10080] =	vst v63  }
0x71: {  	_ = 	snop  }
0x72: {  	[tilespmem:s31], [sflag:$0x1] =	stream.indirect_vreg.gather [hbm4b:s6+s2], $0x80, v3, vm0, $0xb8;
	[tilespmem:$0x10080] =	vst v63  }
0x73: {  	_ =	swait.ge [sflag:s1], $0x10000  }
0x74: {  	p0 =	sne.s32 s7, $0x1;
	[sflag:s1] =	ssyncset.done $0x0  }
.Ltmp0:
0x75: {  	s10 =	rddreg [dreg:$0x4];
	[sflag:s1] =	ssyncadd.s32 $0xFFFF0000;
	(pc) =	sbr.rel @p0 .LBB2_1-.Ltmp0, $4  }
0x76: {  	[hbm4b:s10+s2] =	stream.linear.scatter [tilespmem:s9], [sflag:$0x2], $0x10000, $0x38;
	[tilespmem:$0x10080] =	vst v63  }
0x77: {  	_ =	swait.ge [sflag:s8], $0x10000  }
0x78: {  	[sflag:s8] =	ssyncset.done $0x0  }
0x79: {  	s7 =	sadd.s32 $0xFFFFFFFF, s7;
	[sflag:s8] =	ssyncadd.s32 $0xFFFF0000  }
0x7a: {  	_ =	sfence.sel $0x180000  }
0x7b: {  	[bflag:$0x0] =	sbarrier.arrive $0xFFFF  }
0x7c: {  	_ =	strace $0x9000004A  }
0x7d: {  	s0 =	stileid.u32;
	[bflag:$0x2] =	sbarrier.arrive $0xFFFF  }
0x7e: {  	p0 =	sne.s32 s0, $0x0;
	s0 =	rddreg [dreg:$0x2]  }
0x7f: {  	s0 =	sadd.s32 @!p0 $0x100000, s0  }
0x80: {  	[sflag:s0] =	ssyncadd.tile.s32 @!p0 $0x1;
	_ =	shalt  }
.Lfunc_end2:
_tile_overlayer_lowered:
.L_overlay_start_2:
0x81: {  	(tag) =	ssettag $0x2  }
0x82: {  	s0 =	rddreg [dreg:$0x0];
	s2 =	stileid.u32  }
0x83: {  	s1 =	rddreg [dreg:$0x1];
	p0 =	sne.s32 s2, $0x0  }
0x84: {  	s3 =	rddreg [dreg:$0x2];
	[bflag:$0x3] =	sbarrier.arrive $0xFFFF;
	s2 =	simm.s32 @!p0 $0x1C02  }
0x85: {  	[timem:s3], [sflag:s2] =	dma.local @!p0 [hbm:s0], s1  }
0x86: {  	s0 =	simm.s32 @!p0 $0x2  }
0x87: {  	_ =	swait.ge @!p0 [sflag:s0], s1  }
0x88: {  	s1 =	ssub.s32 @!p0 $0x0, s1;
	[sflag:s0] =	ssyncset.done @!p0 $0x0  }
0x89: {  	[sflag:s0] =	ssyncadd.s32 @!p0 s1  }
0x8a: {  	[bflag:$0x3] =	sbarrier.arrive $0xFFFF  }
0x8b: {  	_ =	shalt  }

</sc_bundles>
